<compile_context>
chip_gen: v7x
topology: tpu7x:2x2x1
jax: 0.10.2.dev20260603
libtpu: 0.0.44.dev20260713+nightly
codegen_flags: <defaults>
</compile_context>

<pallas_src>
import functools

import numpy as np
import jax
import jax.numpy as jnp
from jax import lax
from jax.experimental import pallas as pl
from jax.experimental.pallas import tpu as pltpu
from jax.experimental.pallas import tpu_sc as plsc

B, C, H_IN, W_IN = 4, 64, 128, 128
H, W = 512, 512
NBOX = 128
MIN_RADIUS = 3



def _resize_matrix(out_n: int, in_n: int) -> np.ndarray:
    scale = in_n / out_n
    x = (np.arange(out_n) + 0.5) * scale - 0.5
    w = np.maximum(0.0, 1.0 - np.abs(x[:, None] - np.arange(in_n)[None, :]))
    w = w / w.sum(axis=1, keepdims=True)
    return w.astype(np.float32)


_R = _resize_matrix(H, H_IN)
_RT = np.ascontiguousarray(_R.T)
_A = _RT @ _R


_NC, _NS = 2, 16
_NW = _NC * _NS
_WPB = _NW // B
_ROWS = H // _WPB
_NCHUNK = 5


def _sc_heatmap_body(bb_hbm, hm_hbm, bb_v, prm_v, slab_v):
    wid = lax.axis_index("s") * _NC + lax.axis_index("c")
    batch = wid // _WPB
    wslot = wid % _WPB
    row0 = wslot * _ROWS

    pltpu.sync_copy(bb_hbm.at[batch], bb_v)

    zeros16 = jnp.zeros((16,), jnp.float32)

    def zero_row(r, carry):
        for ch in range(W // 16):
            slab_v[r, pl.ds(ch * 16, 16)] = zeros16
        return carry

    lax.fori_loop(0, _ROWS, zero_row, 0)

    lanes = lax.iota(jnp.int32, 16)

    c0 = lanes * 0

    def decode_group(g, off):
        rows16 = lanes + g * 16
        x = plsc.load_gather(bb_v, [rows16, c0])
        y = plsc.load_gather(bb_v, [rows16, c0 + 1])
        z = plsc.load_gather(bb_v, [rows16, c0 + 2])
        wd = plsc.load_gather(bb_v, [rows16, c0 + 3])
        lg = plsc.load_gather(bb_v, [rows16, c0 + 4])
        wi = jnp.maximum((wd * 0.5).astype(jnp.int32), MIN_RADIUS)
        hi = jnp.maximum((lg * 0.5).astype(jnp.int32), MIN_RADIUS)
        cx = x.astype(jnp.int32)
        cy = y.astype(jnp.int32)
        xmin = jnp.maximum(cx - wi, 0)
        xmax = jnp.minimum(cx + wi + 1, H)
        ymin = jnp.maximum(cy - hi, 0)
        ymax = jnp.minimum(cy + hi + 1, W)
        valid = (wd > 0.0) & (lg > 0.0)
        xmax = jnp.where(valid, xmax, xmin)
        rlo = jnp.clip(xmin - row0, 0, _ROWS)
        rhi = jnp.clip(xmax - row0, 0, _ROWS)
        hit = rlo < rhi
        pos = off + plsc.cumsum(jnp.where(hit, 1, 0)) - 1
        base8 = pos * 8
        plsc.store_scatter(prm_v, [base8], rlo, mask=hit)
        plsc.store_scatter(prm_v, [base8 + 1], rhi, mask=hit)
        plsc.store_scatter(prm_v, [base8 + 2], ymin, mask=hit)
        plsc.store_scatter(prm_v, [base8 + 3], ymax, mask=hit)
        plsc.store_scatter(prm_v, [base8 + 4], plsc.bitcast(z, jnp.int32),
                           mask=hit)
        return pos[15] + 1

    nhit = lax.fori_loop(0, NBOX // 16, decode_group, 0)

    def box_step(k, carry):
        w = prm_v[pl.ds(k * 8, 16)]
        wf = plsc.bitcast(w, jnp.float32)
        rlo = w[0]
        rhi = w[1]
        ym = w[2]
        yM = w[3]
        zv = jnp.broadcast_to(wf[4], (16,))
        kmin = ym >> 4
        chunks = []
        for ci in range(_NCHUNK):
            base = jnp.minimum((kmin + ci) * 16, W - 16)
            cols = base + lanes
            m = (cols >= ym) & (cols < yM)
            chunks.append((cols, m))

        def row_step(r, rc):
            rv = jnp.broadcast_to(r, (16,))
            for cols, m in chunks:
                plsc.store_scatter(slab_v, [rv, cols], zv, mask=m)
            return rc

        lax.fori_loop(rlo, rhi, row_step, 0)
        return carry

    lax.fori_loop(0, nhit, box_step, 0)

    pltpu.sync_copy(slab_v, hm_hbm.at[batch, pl.ds(row0, _ROWS)])


@functools.cache
def _get_sc_heatmap():
    return pl.kernel(
        _sc_heatmap_body,
        out_type=jax.ShapeDtypeStruct((B, H, W), jnp.float32),
        mesh=plsc.VectorSubcoreMesh(core_axis_name="c", subcore_axis_name="s",
                                    num_cores=_NC, num_subcores=_NS),
        compiler_params=pltpu.CompilerParams(needs_layout_passes=False,
                                             skip_device_barrier=True),
        scratch_types=[
            pltpu.VMEM((NBOX, 7), jnp.float32),
            pltpu.VMEM((NBOX * 8 + 16,), jnp.int32),
            pltpu.VMEM((_ROWS, W), jnp.float32),
        ],
    )



def _feat_body(a_ref, feat_ref, fsum_ref, t1_ref):
    b = pl.program_id(0)
    F = feat_ref[0]
    fsum_ref[0] = jnp.sum(F, axis=0)

    A2 = a_ref[...]
    G = lax.dot_general(F, A2, (((2,), (0,)), ((), ())),
                        preferred_element_type=jnp.float32)
    M = lax.dot_general(F, G, (((2,), (2,)), ((0,), (0,))),
                        preferred_element_type=jnp.float32)
    part = jnp.sum(M * A2[None])

    @pl.when(b == 0)
    def _init():
        t1_ref[...] = jnp.zeros((1, 1), jnp.float32)

    t1_ref[...] += part


def _feat_pass(feat):
    return pl.pallas_call(
        _feat_body,
        grid=(B,),
        in_specs=[
            pl.BlockSpec((H_IN, H_IN), lambda b: (0, 0)),
            pl.BlockSpec((1, C, H_IN, W_IN), lambda b: (b, 0, 0, 0)),
        ],
        out_specs=[
            pl.BlockSpec((1, H_IN, W_IN), lambda b: (b, 0, 0)),
            pl.BlockSpec((1, 1), lambda b: (0, 0)),
        ],
        out_shape=[
            jax.ShapeDtypeStruct((B, H_IN, W_IN), jnp.float32),
            jax.ShapeDtypeStruct((1, 1), jnp.float32),
        ],
    )(jnp.asarray(_A), feat)



_INV_N = 1.0 / float(B * C * H * W)


def _reduce_body(rt_ref, r_ref, t1_ref, hm_ref, fsum_ref, loss_ref):
    b = pl.program_id(0)
    hm = hm_ref[0]
    P = jnp.dot(rt_ref[...], hm, preferred_element_type=jnp.float32)
    D = jnp.dot(P, r_ref[...], preferred_element_type=jnp.float32)
    part2 = jnp.sum(fsum_ref[0] * D)
    part3 = jnp.sum(hm * hm)

    @pl.when(b == 0)
    def _init():
        loss_ref[...] = t1_ref[...] * _INV_N

    loss_ref[...] += (float(C) * part3 - 2.0 * part2) * _INV_N


def _reduce_pass(hm, fsum, t1):
    return pl.pallas_call(
        _reduce_body,
        grid=(B,),
        in_specs=[
            pl.BlockSpec((H_IN, H), lambda b: (0, 0)),
            pl.BlockSpec((H, H_IN), lambda b: (0, 0)),
            pl.BlockSpec((1, 1), lambda b: (0, 0)),
            pl.BlockSpec((1, H, W), lambda b: (b, 0, 0)),
            pl.BlockSpec((1, H_IN, W_IN), lambda b: (b, 0, 0)),
        ],
        out_specs=pl.BlockSpec((1, 1), lambda b: (0, 0)),
        out_shape=jax.ShapeDtypeStruct((1, 1), jnp.float32),
    )(jnp.asarray(_RT), jnp.asarray(_R), t1, hm, fsum)




def kernel(feat, gt_bboxes):
    hm = _get_sc_heatmap()(gt_bboxes)
    fsum, t1 = _feat_pass(feat)
    loss = _reduce_pass(hm, fsum, t1)
    return loss[0, 0]

# --- scband reference (transcript-rebuilt; emitter-appended) ---
"""Pipeline reference for scband-cftaux-head-82884278879205 (READ-ONLY COPY).

The authoritative reference and input builder live on the scoring server;
editing this copy changes nothing except your own understanding.
"""

import jax, jax.numpy as jnp
import numpy as np

OUT_SIZE_FACTOR = 1
MIN_RADIUS = 3
UPSCALE = 4.0


def setup_inputs(seed: int = 0) -> dict:
    key = jax.random.key(seed)
    k1, k2 = jax.random.split(key)
    feat = jax.random.normal(k1, (4, 64, 128, 128), dtype=jnp.float32)
    raw = jax.random.uniform(k2, (4, 128, 7), dtype=jnp.float32)
    # bbox layout: [x, y, z, width, length, extra, extra]
    scale = jnp.array([512.0, 512.0, 2.0, 54.0, 54.0, 1.0, 1.0], dtype=jnp.float32)
    offset = jnp.array([0.0, 0.0, 0.5, 6.0, 6.0, 0.0, 0.0], dtype=jnp.float32)
    gt_bboxes = raw * scale + offset
    return {"feat": feat, "gt_bboxes": gt_bboxes}


def _resize(feat, scale):
    B, C, H, W = feat.shape
    return jax.image.resize(feat, (B, C, int(H * scale), int(W * scale)), method="bilinear")


def _heatmap_single(boxes, H, W):
    rows = jnp.arange(H, dtype=jnp.int32)[:, None]
    cols = jnp.arange(W, dtype=jnp.int32)[None, :]

    def body(hm, bbox):
        width = bbox[3] / OUT_SIZE_FACTOR
        length = bbox[4] / OUT_SIZE_FACTOR
        valid = (width > 0) & (length > 0)
        # torch float // 2 == floor division
        w = jnp.maximum(jnp.floor(width / 2.0), float(MIN_RADIUS))
        h = jnp.maximum(jnp.floor(length / 2.0), float(MIN_RADIUS))
        x = bbox[0] / OUT_SIZE_FACTOR
        y = bbox[1] / OUT_SIZE_FACTOR
        z = bbox[2]
        cx = x.astype(jnp.int32).astype(jnp.float32)
        cy = y.astype(jnp.int32).astype(jnp.float32)
        xmin = jnp.clip(cx - w, 0.0, None).astype(jnp.int32)
        xmax = jnp.minimum(cx + w + 1.0, float(H)).astype(jnp.int32)
        ymin = jnp.clip(cy - h, 0.0, None).astype(jnp.int32)
        ymax = jnp.minimum(cy + h + 1.0, float(W)).astype(jnp.int32)
        # rectangular scatter-overwrite heatmap[xmin:xmax, ymin:ymax] = z
        mask = valid & (rows >= xmin) & (rows < xmax) & (cols >= ymin) & (cols < ymax)
        hm = jnp.where(mask, z, hm)
        return hm, None

    hm0 = jnp.zeros((H, W), dtype=jnp.float32)
    hm, _ = jax.lax.scan(body, hm0, boxes)
    return hm


def reference(feat, gt_bboxes):
    up = _resize(feat, UPSCALE)
    B, C, H, W = up.shape
    heatmaps = jax.vmap(lambda b: _heatmap_single(b, H, W))(gt_bboxes)
    # loss(feat, heatmaps): MSE between upscaled feature and height heatmap target
    loss = jnp.mean((up - heatmaps[:, None, :, :]) ** 2)
    return loss

if __name__ == "__main__":
    import jax
    _d = setup_inputs()
    print(jax.jit(kernel)(*tuple(_d.values())))

</pallas_src>

<mosaic_0001>
#map = affine_map<(d0, d1) -> (0, 0, 0)>
module attributes {stable_mosaic.version = 14 : i64} {
  func.func @_sc_heatmap_body(%arg0: i32, %arg1: i32, %arg2: memref<4x128x7xf32, #tpu.memory_space<hbm>>, %arg3: memref<4x512x512xf32, #tpu.memory_space<hbm>>, %arg4: memref<128x7xf32, #tpu.memory_space<vmem>>, %arg5: memref<1040xi32, #tpu.memory_space<vmem>>, %arg6: memref<64x512xf32, #tpu.memory_space<vmem>>) attributes {dimension_semantics = [#tpu.dimension_semantics<core_parallel>, #tpu.dimension_semantics<subcore_parallel>], iteration_bounds = array<i64: 2, 16>, scalar_prefetch = 0 : i64, scratch_operands = 3 : i64, tpu.core_type = #tpu.core_type<sc_vector_subcore>, window_params = [{transform_indices = #map}, {transform_indices = #map}]} {
    %mul3A = arith.constant 2 : i32
    %mul3A_0 = arith.muli %arg1, %mul3A : i32
    %add3A = arith.addi %mul3A_0, %arg0 : i32
    %jit3A = arith.constant 8 : i32
    %div3A = arith.divsi %add3A, %jit3A : i32
    %sign3A = arith.constant 0 : i32
    %sign3A_1 = arith.cmpi sgt, %add3A, %sign3A : i32
    %sign3A_2 = arith.extui %sign3A_1 : i1 to i32
    %sign3A_3 = arith.constant 0 : i32
    %sign3A_4 = arith.cmpi slt, %add3A, %sign3A_3 : i32
    %sign3A_5 = arith.extui %sign3A_4 : i1 to i32
    %sign3A_6 = arith.subi %sign3A_2, %sign3A_5 : i32
    %sign3A_7 = arith.constant 0 : i32
    %sign3A_8 = arith.cmpi sgt, %jit3A, %sign3A_7 : i32
    %sign3A_9 = arith.extui %sign3A_8 : i1 to i32
    %sign3A_10 = arith.constant 0 : i32
    %sign3A_11 = arith.cmpi slt, %jit3A, %sign3A_10 : i32
    %sign3A_12 = arith.extui %sign3A_11 : i1 to i32
    %sign3A_13 = arith.subi %sign3A_9, %sign3A_12 : i32
    %ne3A = arith.cmpi ne, %sign3A_6, %sign3A_13 : i32
    %rem3A = arith.remsi %add3A, %jit3A : i32
    %ne3A_14 = arith.constant 0 : i32
    %ne3A_15 = arith.cmpi ne, %rem3A, %ne3A_14 : i32
    %and3A = arith.andi %ne3A, %ne3A_15 : i1
    %sub3A = arith.constant 1 : i32
    %sub3A_16 = arith.subi %div3A, %sub3A : i32
    %select_n3A = arith.select %and3A, %sub3A_16, %div3A : i32
    %jit3A_17 = arith.constant 8 : i32
    %eq3A = arith.constant 0 : i32
    %eq3A_18 = arith.cmpi eq, %jit3A_17, %eq3A : i32
    %jit3A_19 = arith.constant 1 : i32
    %select_n3A_20 = arith.select %eq3A_18, %jit3A_19, %jit3A_17 : i32
    %rem3A_21 = arith.remsi %add3A, %select_n3A_20 : i32
    %ne3A_22 = arith.constant 0 : i32
    %ne3A_23 = arith.cmpi ne, %rem3A_21, %ne3A_22 : i32
    %lt3A = arith.constant 0 : i32
    %lt3A_24 = arith.cmpi slt, %rem3A_21, %lt3A : i32
    %lt3A_25 = arith.constant 0 : i32
    %lt3A_26 = arith.cmpi slt, %select_n3A_20, %lt3A_25 : i32
    %ne3A_27 = arith.xori %lt3A_24, %lt3A_26 : i1
    %and3A_28 = arith.andi %ne3A_27, %ne3A_23 : i1
    %add3A_29 = arith.addi %rem3A_21, %select_n3A_20 : i32
    %select_n3A_30 = arith.select %and3A_28, %add3A_29, %rem3A_21 : i32
    %mul3A_31 = arith.constant 64 : i32
    %mul3A_32 = arith.muli %select_n3A_30, %mul3A_31 : i32
    "tpu.region"() ({
      %run_scoped3A = tpu.sem_alloc : memref<!tpu.dma_semaphore, #tpu.memory_space<semaphore_mem>>
      %dma_start3A = arith.constant 0 : i32
      %dma_start3A_58 = arith.constant 0 : i32
      %dma_start3A_59 = tpu.memref_slice %arg2[%select_n3A, %dma_start3A, %dma_start3A_58] : memref<4x128x7xf32, #tpu.memory_space<hbm>> -> memref<1x128x7xf32, #tpu.memory_space<hbm>>
      %dma_start3A_60 = tpu.memref_squeeze %dma_start3A_59 : memref<1x128x7xf32, #tpu.memory_space<hbm>> -> memref<128x7xf32, #tpu.memory_space<hbm>>
      %dma_start3A_61 = arith.constant 0 : i32
      %dma_start3A_62 = arith.constant 0 : i32
      %dma_start3A_63 = tpu.memref_slice %arg2[%select_n3A, %dma_start3A_61, %dma_start3A_62] : memref<4x128x7xf32, #tpu.memory_space<hbm>> -> memref<1x128x7xf32, #tpu.memory_space<hbm>>
      %dma_start3A_64 = tpu.memref_squeeze %dma_start3A_63 : memref<1x128x7xf32, #tpu.memory_space<hbm>> -> memref<128x7xf32, #tpu.memory_space<hbm>>
      tpu.enqueue_dma source(%dma_start3A_64 : memref<128x7xf32, #tpu.memory_space<hbm>>) target(%arg4 : memref<128x7xf32, #tpu.memory_space<vmem>>) target_semaphore(%run_scoped3A : memref<!tpu.dma_semaphore, #tpu.memory_space<semaphore_mem>>)
      %dma_wait3A = arith.constant 0 : i32
      %dma_wait3A_65 = arith.constant 0 : i32
      %dma_wait3A_66 = tpu.memref_slice %arg2[%select_n3A, %dma_wait3A, %dma_wait3A_65] : memref<4x128x7xf32, #tpu.memory_space<hbm>> -> memref<1x128x7xf32, #tpu.memory_space<hbm>>
      %dma_wait3A_67 = tpu.memref_squeeze %dma_wait3A_66 : memref<1x128x7xf32, #tpu.memory_space<hbm>> -> memref<128x7xf32, #tpu.memory_space<hbm>>
      %dma_wait3A_68 = arith.constant 0 : i32
      %dma_wait3A_69 = arith.constant 0 : i32
      %dma_wait3A_70 = tpu.memref_slice %arg2[%select_n3A, %dma_wait3A_68, %dma_wait3A_69] : memref<4x128x7xf32, #tpu.memory_space<hbm>> -> memref<1x128x7xf32, #tpu.memory_space<hbm>>
      %dma_wait3A_71 = tpu.memref_squeeze %dma_wait3A_70 : memref<1x128x7xf32, #tpu.memory_space<hbm>> -> memref<128x7xf32, #tpu.memory_space<hbm>>
      tpu.wait_dma2 semaphore(%run_scoped3A : memref<!tpu.dma_semaphore, #tpu.memory_space<semaphore_mem>>) src(%dma_wait3A_71 : memref<128x7xf32, #tpu.memory_space<hbm>>) dst(%arg4 : memref<128x7xf32, #tpu.memory_space<vmem>>)
      tpu.yield
    }) : () -> ()
    %broadcast_in_dim3A = arith.constant 0.000000e+00 : f32
    %broadcast_in_dim3A_33 = vector.broadcast %broadcast_in_dim3A : f32 to vector<16xf32>
    %scan3A = arith.constant 0 : i32
    %scan3A_34 = arith.constant 0 : i32
    %scan3A_35 = arith.constant 64 : i32
    %scan3A_36 = arith.addi %scan3A_34, %scan3A_35 : i32
    %scan3A_37 = arith.constant 1 : i32
    scf.for %scan3A_58 = %scan3A_34 to %scan3A_36 step %scan3A_37  : i32 {
      %swap3A = arith.index_cast %scan3A_58 : i32 to index
      %swap3A_59 = arith.constant 0 : index
      %swap3A_60 = tpu.vector_load %arg6[%swap3A, %swap3A_59] {strides = array<i32>} : memref<64x512xf32, #tpu.memory_space<vmem>>, vector<16xf32>,
      tpu.vector_store %arg6[%swap3A, %swap3A_59], %broadcast_in_dim3A_33 {strides = array<i32>} : memref<64x512xf32, #tpu.memory_space<vmem>>, vector<16xf32>,
      %swap3A_61 = arith.index_cast %scan3A_58 : i32 to index
      %swap3A_62 = arith.constant 16 : index
      %swap3A_63 = tpu.vector_load %arg6[%swap3A_61, %swap3A_62] {strides = array<i32>} : memref<64x512xf32, #tpu.memory_space<vmem>>, vector<16xf32>,
      tpu.vector_store %arg6[%swap3A_61, %swap3A_62], %broadcast_in_dim3A_33 {strides = array<i32>} : memref<64x512xf32, #tpu.memory_space<vmem>>, vector<16xf32>,
      %swap3A_64 = arith.index_cast %scan3A_58 : i32 to index
      %swap3A_65 = arith.constant 32 : index
      %swap3A_66 = tpu.vector_load %arg6[%swap3A_64, %swap3A_65] {strides = array<i32>} : memref<64x512xf32, #tpu.memory_space<vmem>>, vector<16xf32>,
      tpu.vector_store %arg6[%swap3A_64, %swap3A_65], %broadcast_in_dim3A_33 {strides = array<i32>} : memref<64x512xf32, #tpu.memory_space<vmem>>, vector<16xf32>,
      %swap3A_67 = arith.index_cast %scan3A_58 : i32 to index
      %swap3A_68 = arith.constant 48 : index
      %swap3A_69 = tpu.vector_load %arg6[%swap3A_67, %swap3A_68] {strides = array<i32>} : memref<64x512xf32, #tpu.memory_space<vmem>>, vector<16xf32>,
      tpu.vector_store %arg6[%swap3A_67, %swap3A_68], %broadcast_in_dim3A_33 {strides = array<i32>} : memref<64x512xf32, #tpu.memory_space<vmem>>, vector<16xf32>,
      %swap3A_70 = arith.index_cast %scan3A_58 : i32 to index
      %swap3A_71 = arith.constant 64 : index
      %swap3A_72 = tpu.vector_load %arg6[%swap3A_70, %swap3A_71] {strides = array<i32>} : memref<64x512xf32, #tpu.memory_space<vmem>>, vector<16xf32>,
      tpu.vector_store %arg6[%swap3A_70, %swap3A_71], %broadcast_in_dim3A_33 {strides = array<i32>} : memref<64x512xf32, #tpu.memory_space<vmem>>, vector<16xf32>,
      %swap3A_73 = arith.index_cast %scan3A_58 : i32 to index
      %swap3A_74 = arith.constant 80 : index
      %swap3A_75 = tpu.vector_load %arg6[%swap3A_73, %swap3A_74] {strides = array<i32>} : memref<64x512xf32, #tpu.memory_space<vmem>>, vector<16xf32>,
      tpu.vector_store %arg6[%swap3A_73, %swap3A_74], %broadcast_in_dim3A_33 {strides = array<i32>} : memref<64x512xf32, #tpu.memory_space<vmem>>, vector<16xf32>,
      %swap3A_76 = arith.index_cast %scan3A_58 : i32 to index
      %swap3A_77 = arith.constant 96 : index
      %swap3A_78 = tpu.vector_load %arg6[%swap3A_76, %swap3A_77] {strides = array<i32>} : memref<64x512xf32, #tpu.memory_space<vmem>>, vector<16xf32>,
      tpu.vector_store %arg6[%swap3A_76, %swap3A_77], %broadcast_in_dim3A_33 {strides = array<i32>} : memref<64x512xf32, #tpu.memory_space<vmem>>, vector<16xf32>,
      %swap3A_79 = arith.index_cast %scan3A_58 : i32 to index
      %swap3A_80 = arith.constant 112 : index
      %swap3A_81 = tpu.vector_load %arg6[%swap3A_79, %swap3A_80] {strides = array<i32>} : memref<64x512xf32, #tpu.memory_space<vmem>>, vector<16xf32>,
      tpu.vector_store %arg6[%swap3A_79, %swap3A_80], %broadcast_in_dim3A_33 {strides = array<i32>} : memref<64x512xf32, #tpu.memory_space<vmem>>, vector<16xf32>,
      %swap3A_82 = arith.index_cast %scan3A_58 : i32 to index
      %swap3A_83 = arith.constant 128 : index
      %swap3A_84 = tpu.vector_load %arg6[%swap3A_82, %swap3A_83] {strides = array<i32>} : memref<64x512xf32, #tpu.memory_space<vmem>>, vector<16xf32>,
      tpu.vector_store %arg6[%swap3A_82, %swap3A_83], %broadcast_in_dim3A_33 {strides = array<i32>} : memref<64x512xf32, #tpu.memory_space<vmem>>, vector<16xf32>,
      %swap3A_85 = arith.index_cast %scan3A_58 : i32 to index
      %swap3A_86 = arith.constant 144 : index
      %swap3A_87 = tpu.vector_load %arg6[%swap3A_85, %swap3A_86] {strides = array<i32>} : memref<64x512xf32, #tpu.memory_space<vmem>>, vector<16xf32>,
      tpu.vector_store %arg6[%swap3A_85, %swap3A_86], %broadcast_in_dim3A_33 {strides = array<i32>} : memref<64x512xf32, #tpu.memory_space<vmem>>, vector<16xf32>,
      %swap3A_88 = arith.index_cast %scan3A_58 : i32 to index
      %swap3A_89 = arith.constant 160 : index
      %swap3A_90 = tpu.vector_load %arg6[%swap3A_88, %swap3A_89] {strides = array<i32>} : memref<64x512xf32, #tpu.memory_space<vmem>>, vector<16xf32>,
      tpu.vector_store %arg6[%swap3A_88, %swap3A_89], %broadcast_in_dim3A_33 {strides = array<i32>} : memref<64x512xf32, #tpu.memory_space<vmem>>, vector<16xf32>,
      %swap3A_91 = arith.index_cast %scan3A_58 : i32 to index
      %swap3A_92 = arith.constant 176 : index
      %swap3A_93 = tpu.vector_load %arg6[%swap3A_91, %swap3A_92] {strides = array<i32>} : memref<64x512xf32, #tpu.memory_space<vmem>>, vector<16xf32>,
      tpu.vector_store %arg6[%swap3A_91, %swap3A_92], %broadcast_in_dim3A_33 {strides = array<i32>} : memref<64x512xf32, #tpu.memory_space<vmem>>, vector<16xf32>,
      %swap3A_94 = arith.index_cast %scan3A_58 : i32 to index
      %swap3A_95 = arith.constant 192 : index
      %swap3A_96 = tpu.vector_load %arg6[%swap3A_94, %swap3A_95] {strides = array<i32>} : memref<64x512xf32, #tpu.memory_space<vmem>>, vector<16xf32>,
      tpu.vector_store %arg6[%swap3A_94, %swap3A_95], %broadcast_in_dim3A_33 {strides = array<i32>} : memref<64x512xf32, #tpu.memory_space<vmem>>, vector<16xf32>,
      %swap3A_97 = arith.index_cast %scan3A_58 : i32 to index
      %swap3A_98 = arith.constant 208 : index
      %swap3A_99 = tpu.vector_load %arg6[%swap3A_97, %swap3A_98] {strides = array<i32>} : memref<64x512xf32, #tpu.memory_space<vmem>>, vector<16xf32>,
      tpu.vector_store %arg6[%swap3A_97, %swap3A_98], %broadcast_in_dim3A_33 {strides = array<i32>} : memref<64x512xf32, #tpu.memory_space<vmem>>, vector<16xf32>,
      %swap3A_100 = arith.index_cast %scan3A_58 : i32 to index
      %swap3A_101 = arith.constant 224 : index
      %swap3A_102 = tpu.vector_load %arg6[%swap3A_100, %swap3A_101] {strides = array<i32>} : memref<64x512xf32, #tpu.memory_space<vmem>>, vector<16xf32>,
      tpu.vector_store %arg6[%swap3A_100, %swap3A_101], %broadcast_in_dim3A_33 {strides = array<i32>} : memref<64x512xf32, #tpu.memory_space<vmem>>, vector<16xf32>,
      %swap3A_103 = arith.index_cast %scan3A_58 : i32 to index
      %swap3A_104 = arith.constant 240 : index
      %swap3A_105 = tpu.vector_load %arg6[%swap3A_103, %swap3A_104] {strides = array<i32>} : memref<64x512xf32, #tpu.memory_space<vmem>>, vector<16xf32>,
      tpu.vector_store %arg6[%swap3A_103, %swap3A_104], %broadcast_in_dim3A_33 {strides = array<i32>} : memref<64x512xf32, #tpu.memory_space<vmem>>, vector<16xf32>,
      %swap3A_106 = arith.index_cast %scan3A_58 : i32 to index
      %swap3A_107 = arith.constant 256 : index
      %swap3A_108 = tpu.vector_load %arg6[%swap3A_106, %swap3A_107] {strides = array<i32>} : memref<64x512xf32, #tpu.memory_space<vmem>>, vector<16xf32>,
      tpu.vector_store %arg6[%swap3A_106, %swap3A_107], %broadcast_in_dim3A_33 {strides = array<i32>} : memref<64x512xf32, #tpu.memory_space<vmem>>, vector<16xf32>,
      %swap3A_109 = arith.index_cast %scan3A_58 : i32 to index
      %swap3A_110 = arith.constant 272 : index
      %swap3A_111 = tpu.vector_load %arg6[%swap3A_109, %swap3A_110] {strides = array<i32>} : memref<64x512xf32, #tpu.memory_space<vmem>>, vector<16xf32>,
      tpu.vector_store %arg6[%swap3A_109, %swap3A_110], %broadcast_in_dim3A_33 {strides = array<i32>} : memref<64x512xf32, #tpu.memory_space<vmem>>, vector<16xf32>,
      %swap3A_112 = arith.index_cast %scan3A_58 : i32 to index
      %swap3A_113 = arith.constant 288 : index
      %swap3A_114 = tpu.vector_load %arg6[%swap3A_112, %swap3A_113] {strides = array<i32>} : memref<64x512xf32, #tpu.memory_space<vmem>>, vector<16xf32>,
      tpu.vector_store %arg6[%swap3A_112, %swap3A_113], %broadcast_in_dim3A_33 {strides = array<i32>} : memref<64x512xf32, #tpu.memory_space<vmem>>, vector<16xf32>,
      %swap3A_115 = arith.index_cast %scan3A_58 : i32 to index
      %swap3A_116 = arith.constant 304 : index
      %swap3A_117 = tpu.vector_load %arg6[%swap3A_115, %swap3A_116] {strides = array<i32>} : memref<64x512xf32, #tpu.memory_space<vmem>>, vector<16xf32>,
      tpu.vector_store %arg6[%swap3A_115, %swap3A_116], %broadcast_in_dim3A_33 {strides = array<i32>} : memref<64x512xf32, #tpu.memory_space<vmem>>, vector<16xf32>,
      %swap3A_118 = arith.index_cast %scan3A_58 : i32 to index
      %swap3A_119 = arith.constant 320 : index
      %swap3A_120 = tpu.vector_load %arg6[%swap3A_118, %swap3A_119] {strides = array<i32>} : memref<64x512xf32, #tpu.memory_space<vmem>>, vector<16xf32>,
      tpu.vector_store %arg6[%swap3A_118, %swap3A_119], %broadcast_in_dim3A_33 {strides = array<i32>} : memref<64x512xf32, #tpu.memory_space<vmem>>, vector<16xf32>,
      %swap3A_121 = arith.index_cast %scan3A_58 : i32 to index
      %swap3A_122 = arith.constant 336 : index
      %swap3A_123 = tpu.vector_load %arg6[%swap3A_121, %swap3A_122] {strides = array<i32>} : memref<64x512xf32, #tpu.memory_space<vmem>>, vector<16xf32>,
      tpu.vector_store %arg6[%swap3A_121, %swap3A_122], %broadcast_in_dim3A_33 {strides = array<i32>} : memref<64x512xf32, #tpu.memory_space<vmem>>, vector<16xf32>,
      %swap3A_124 = arith.index_cast %scan3A_58 : i32 to index
      %swap3A_125 = arith.constant 352 : index
      %swap3A_126 = tpu.vector_load %arg6[%swap3A_124, %swap3A_125] {strides = array<i32>} : memref<64x512xf32, #tpu.memory_space<vmem>>, vector<16xf32>,
      tpu.vector_store %arg6[%swap3A_124, %swap3A_125], %broadcast_in_dim3A_33 {strides = array<i32>} : memref<64x512xf32, #tpu.memory_space<vmem>>, vector<16xf32>,
      %swap3A_127 = arith.index_cast %scan3A_58 : i32 to index
      %swap3A_128 = arith.constant 368 : index
      %swap3A_129 = tpu.vector_load %arg6[%swap3A_127, %swap3A_128] {strides = array<i32>} : memref<64x512xf32, #tpu.memory_space<vmem>>, vector<16xf32>,
      tpu.vector_store %arg6[%swap3A_127, %swap3A_128], %broadcast_in_dim3A_33 {strides = array<i32>} : memref<64x512xf32, #tpu.memory_space<vmem>>, vector<16xf32>,
      %swap3A_130 = arith.index_cast %scan3A_58 : i32 to index
      %swap3A_131 = arith.constant 384 : index
      %swap3A_132 = tpu.vector_load %arg6[%swap3A_130, %swap3A_131] {strides = array<i32>} : memref<64x512xf32, #tpu.memory_space<vmem>>, vector<16xf32>,
      tpu.vector_store %arg6[%swap3A_130, %swap3A_131], %broadcast_in_dim3A_33 {strides = array<i32>} : memref<64x512xf32, #tpu.memory_space<vmem>>, vector<16xf32>,
      %swap3A_133 = arith.index_cast %scan3A_58 : i32 to index
      %swap3A_134 = arith.constant 400 : index
      %swap3A_135 = tpu.vector_load %arg6[%swap3A_133, %swap3A_134] {strides = array<i32>} : memref<64x512xf32, #tpu.memory_space<vmem>>, vector<16xf32>,
      tpu.vector_store %arg6[%swap3A_133, %swap3A_134], %broadcast_in_dim3A_33 {strides = array<i32>} : memref<64x512xf32, #tpu.memory_space<vmem>>, vector<16xf32>,
      %swap3A_136 = arith.index_cast %scan3A_58 : i32 to index
      %swap3A_137 = arith.constant 416 : index
      %swap3A_138 = tpu.vector_load %arg6[%swap3A_136, %swap3A_137] {strides = array<i32>} : memref<64x512xf32, #tpu.memory_space<vmem>>, vector<16xf32>,
      tpu.vector_store %arg6[%swap3A_136, %swap3A_137], %broadcast_in_dim3A_33 {strides = array<i32>} : memref<64x512xf32, #tpu.memory_space<vmem>>, vector<16xf32>,
      %swap3A_139 = arith.index_cast %scan3A_58 : i32 to index
      %swap3A_140 = arith.constant 432 : index
      %swap3A_141 = tpu.vector_load %arg6[%swap3A_139, %swap3A_140] {strides = array<i32>} : memref<64x512xf32, #tpu.memory_space<vmem>>, vector<16xf32>,
      tpu.vector_store %arg6[%swap3A_139, %swap3A_140], %broadcast_in_dim3A_33 {strides = array<i32>} : memref<64x512xf32, #tpu.memory_space<vmem>>, vector<16xf32>,
      %swap3A_142 = arith.index_cast %scan3A_58 : i32 to index
      %swap3A_143 = arith.constant 448 : index
      %swap3A_144 = tpu.vector_load %arg6[%swap3A_142, %swap3A_143] {strides = array<i32>} : memref<64x512xf32, #tpu.memory_space<vmem>>, vector<16xf32>,
      tpu.vector_store %arg6[%swap3A_142, %swap3A_143], %broadcast_in_dim3A_33 {strides = array<i32>} : memref<64x512xf32, #tpu.memory_space<vmem>>, vector<16xf32>,
      %swap3A_145 = arith.index_cast %scan3A_58 : i32 to index
      %swap3A_146 = arith.constant 464 : index
      %swap3A_147 = tpu.vector_load %arg6[%swap3A_145, %swap3A_146] {strides = array<i32>} : memref<64x512xf32, #tpu.memory_space<vmem>>, vector<16xf32>,
      tpu.vector_store %arg6[%swap3A_145, %swap3A_146], %broadcast_in_dim3A_33 {strides = array<i32>} : memref<64x512xf32, #tpu.memory_space<vmem>>, vector<16xf32>,
      %swap3A_148 = arith.index_cast %scan3A_58 : i32 to index
      %swap3A_149 = arith.constant 480 : index
      %swap3A_150 = tpu.vector_load %arg6[%swap3A_148, %swap3A_149] {strides = array<i32>} : memref<64x512xf32, #tpu.memory_space<vmem>>, vector<16xf32>,
      tpu.vector_store %arg6[%swap3A_148, %swap3A_149], %broadcast_in_dim3A_33 {strides = array<i32>} : memref<64x512xf32, #tpu.memory_space<vmem>>, vector<16xf32>,
      %swap3A_151 = arith.index_cast %scan3A_58 : i32 to index
      %swap3A_152 = arith.constant 496 : index
      %swap3A_153 = tpu.vector_load %arg6[%swap3A_151, %swap3A_152] {strides = array<i32>} : memref<64x512xf32, #tpu.memory_space<vmem>>, vector<16xf32>,
      tpu.vector_store %arg6[%swap3A_151, %swap3A_152], %broadcast_in_dim3A_33 {strides = array<i32>} : memref<64x512xf32, #tpu.memory_space<vmem>>, vector<16xf32>,
    }
    %scan3A_38 = arith.constant 64 : i32
    %iota3A = tpu.iota {dimensions = array<i32: 0>} : vector<16xi32>
    %mul3A_39 = arith.constant 0 : i32
    %mul3A_40 = vector.broadcast %mul3A_39 : i32 to vector<16xi32>
    %mul3A_41 = arith.muli %iota3A, %mul3A_40 : vector<16xi32>
    %scan3A_42 = arith.constant 0 : i32
    %scan3A_43 = arith.constant 0 : i32
    %scan3A_44 = arith.constant 8 : i32
    %scan3A_45 = arith.addi %scan3A_43, %scan3A_44 : i32
    %scan3A_46 = arith.constant 1 : i32
    %scan3A_47 = scf.for %scan3A_58 = %scan3A_43 to %scan3A_45 step %scan3A_46 iter_args(%scan3A_59 = %scan3A_42) -> (i32)  : i32 {
      %mul3A_60 = arith.constant 16 : i32
      %mul3A_61 = arith.muli %scan3A_58, %mul3A_60 : i32
      %add3A_62 = vector.broadcast %mul3A_61 : i32 to vector<16xi32>
      %add3A_63 = arith.addi %iota3A, %add3A_62 : vector<16xi32>
      %gather3A = tpu.vector_load_idx %arg4[%add3A_63, %mul3A_41] : memref<128x7xf32, #tpu.memory_space<vmem>>[vector<16xi32>, vector<16xi32>], vector<16xf32>,
      %add3A_64 = arith.constant 1 : i32
      %add3A_65 = vector.broadcast %add3A_64 : i32 to vector<16xi32>
      %add3A_66 = arith.addi %mul3A_41, %add3A_65 : vector<16xi32>
      %gather3A_67 = tpu.vector_load_idx %arg4[%add3A_63, %add3A_66] : memref<128x7xf32, #tpu.memory_space<vmem>>[vector<16xi32>, vector<16xi32>], vector<16xf32>,
      %add3A_68 = arith.constant 2 : i32
      %add3A_69 = vector.broadcast %add3A_68 : i32 to vector<16xi32>
      %add3A_70 = arith.addi %mul3A_41, %add3A_69 : vector<16xi32>
      %gather3A_71 = tpu.vector_load_idx %arg4[%add3A_63, %add3A_70] : memref<128x7xf32, #tpu.memory_space<vmem>>[vector<16xi32>, vector<16xi32>], vector<16xf32>,
      %add3A_72 = arith.constant 3 : i32
      %add3A_73 = vector.broadcast %add3A_72 : i32 to vector<16xi32>
      %add3A_74 = arith.addi %mul3A_41, %add3A_73 : vector<16xi32>
      %gather3A_75 = tpu.vector_load_idx %arg4[%add3A_63, %add3A_74] : memref<128x7xf32, #tpu.memory_space<vmem>>[vector<16xi32>, vector<16xi32>], vector<16xf32>,
      %add3A_76 = arith.constant 4 : i32
      %add3A_77 = vector.broadcast %add3A_76 : i32 to vector<16xi32>
      %add3A_78 = arith.addi %mul3A_41, %add3A_77 : vector<16xi32>
      %gather3A_79 = tpu.vector_load_idx %arg4[%add3A_63, %add3A_78] : memref<128x7xf32, #tpu.memory_space<vmem>>[vector<16xi32>, vector<16xi32>], vector<16xf32>,
      %mul3A_80 = arith.constant 5.000000e-01 : f32
      %mul3A_81 = vector.broadcast %mul3A_80 : f32 to vector<16xf32>
      %mul3A_82 = arith.mulf %gather3A_75, %mul3A_81 : vector<16xf32>
      %convert_element_type3A = arith.fptosi %mul3A_82 : vector<16xf32> to vector<16xi32>
      %max3A = arith.constant 3 : i32
      %max3A_83 = vector.broadcast %max3A : i32 to vector<16xi32>
      %max3A_84 = arith.maxsi %convert_element_type3A, %max3A_83 : vector<16xi32>
      %mul3A_85 = arith.constant 5.000000e-01 : f32
      %mul3A_86 = vector.broadcast %mul3A_85 : f32 to vector<16xf32>
      %mul3A_87 = arith.mulf %gather3A_79, %mul3A_86 : vector<16xf32>
      %convert_element_type3A_88 = arith.fptosi %mul3A_87 : vector<16xf32> to vector<16xi32>
      %max3A_89 = arith.constant 3 : i32
      %max3A_90 = vector.broadcast %max3A_89 : i32 to vector<16xi32>
      %max3A_91 = arith.maxsi %convert_element_type3A_88, %max3A_90 : vector<16xi32>
      %convert_element_type3A_92 = arith.fptosi %gather3A : vector<16xf32> to vector<16xi32>
      %convert_element_type3A_93 = arith.fptosi %gather3A_67 : vector<16xf32> to vector<16xi32>
      %sub3A_94 = arith.subi %convert_element_type3A_92, %max3A_84 : vector<16xi32>
      %max3A_95 = arith.constant 0 : i32
      %max3A_96 = vector.broadcast %max3A_95 : i32 to vector<16xi32>
      %max3A_97 = arith.maxsi %sub3A_94, %max3A_96 : vector<16xi32>
      %add3A_98 = arith.addi %convert_element_type3A_92, %max3A_84 : vector<16xi32>
      %add3A_99 = arith.constant 1 : i32
      %add3A_100 = vector.broadcast %add3A_99 : i32 to vector<16xi32>
      %add3A_101 = arith.addi %add3A_98, %add3A_100 : vector<16xi32>
      %min3A = arith.constant 512 : i32
      %min3A_102 = vector.broadcast %min3A : i32 to vector<16xi32>
      %min3A_103 = arith.minsi %add3A_101, %min3A_102 : vector<16xi32>
      %sub3A_104 = arith.subi %convert_element_type3A_93, %max3A_91 : vector<16xi32>
      %max3A_105 = arith.constant 0 : i32
      %max3A_106 = vector.broadcast %max3A_105 : i32 to vector<16xi32>
      %max3A_107 = arith.maxsi %sub3A_104, %max3A_106 : vector<16xi32>
      %add3A_108 = arith.addi %convert_element_type3A_93, %max3A_91 : vector<16xi32>
      %add3A_109 = arith.constant 1 : i32
      %add3A_110 = vector.broadcast %add3A_109 : i32 to vector<16xi32>
      %add3A_111 = arith.addi %add3A_108, %add3A_110 : vector<16xi32>
      %min3A_112 = arith.constant 512 : i32
      %min3A_113 = vector.broadcast %min3A_112 : i32 to vector<16xi32>
      %min3A_114 = arith.minsi %add3A_111, %min3A_113 : vector<16xi32>
      %gt3A = arith.constant 0.000000e+00 : f32
      %gt3A_115 = vector.broadcast %gt3A : f32 to vector<16xf32>
      %gt3A_116 = arith.cmpf ogt, %gather3A_75, %gt3A_115 : vector<16xf32>
      %gt3A_117 = arith.constant 0.000000e+00 : f32
      %gt3A_118 = vector.broadcast %gt3A_117 : f32 to vector<16xf32>
      %gt3A_119 = arith.cmpf ogt, %gather3A_79, %gt3A_118 : vector<16xf32>
      %and3A_120 = arith.andi %gt3A_116, %gt3A_119 : vector<16xi1>
      %select_n3A_121 = arith.select %and3A_120, %min3A_103, %max3A_97 : vector<16xi1>, vector<16xi32>
      %sub3A_122 = vector.broadcast %mul3A_32 : i32 to vector<16xi32>
      %sub3A_123 = arith.subi %max3A_97, %sub3A_122 : vector<16xi32>
      %jit3A_124 = arith.constant 0 : i32
      %jit3A_125 = arith.constant 64 : i32
      %max3A_126 = vector.broadcast %jit3A_124 : i32 to vector<16xi32>
      %max3A_127 = arith.maxsi %max3A_126, %sub3A_123 : vector<16xi32>
      %min3A_128 = vector.broadcast %jit3A_125 : i32 to vector<16xi32>
      %min3A_129 = arith.minsi %min3A_128, %max3A_127 : vector<16xi32>
      %sub3A_130 = vector.broadcast %mul3A_32 : i32 to vector<16xi32>
      %sub3A_131 = arith.subi %select_n3A_121, %sub3A_130 : vector<16xi32>
      %jit3A_132 = arith.constant 0 : i32
      %jit3A_133 = arith.constant 64 : i32
      %max3A_134 = vector.broadcast %jit3A_132 : i32 to vector<16xi32>
      %max3A_135 = arith.maxsi %max3A_134, %sub3A_131 : vector<16xi32>
      %min3A_136 = vector.broadcast %jit3A_133 : i32 to vector<16xi32>
      %min3A_137 = arith.minsi %min3A_136, %max3A_135 : vector<16xi32>
      %lt3A_138 = arith.cmpi slt, %min3A_129, %min3A_137 : vector<16xi32>
      %jit3A_139 = arith.constant 1 : i32
      %jit3A_140 = arith.constant 0 : i32
      %broadcast_in_dim3A_141 = vector.broadcast %jit3A_139 : i32 to vector<16xi32>
      %broadcast_in_dim3A_142 = vector.broadcast %jit3A_140 : i32 to vector<16xi32>
      %select_n3A_143 = arith.select %lt3A_138, %broadcast_in_dim3A_141, %broadcast_in_dim3A_142 : vector<16xi1>, vector<16xi32>
      %broadcast_in_dim3A_144 = arith.constant true
      %broadcast_in_dim3A_145 = vector.broadcast %broadcast_in_dim3A_144 : i1 to vector<16xi1>
      %masked_cumsum3A = tpu.scan <sum>, %select_n3A_143 masked %broadcast_in_dim3A_145 : vector<16xi32>, vector<16xi1> -> vector<16xi32>
      %add3A_146 = vector.broadcast %scan3A_59 : i32 to vector<16xi32>
      %add3A_147 = arith.addi %add3A_146, %masked_cumsum3A : vector<16xi32>
      %sub3A_148 = arith.constant 1 : i32
      %sub3A_149 = vector.broadcast %sub3A_148 : i32 to vector<16xi32>
      %sub3A_150 = arith.subi %add3A_147, %sub3A_149 : vector<16xi32>
      %mul3A_151 = arith.constant 8 : i32
      %mul3A_152 = vector.broadcast %mul3A_151 : i32 to vector<16xi32>
      %mul3A_153 = arith.muli %sub3A_150, %mul3A_152 : vector<16xi32>
      tpu.vector_store_idx %arg5[%mul3A_153], %min3A_129 masked %lt3A_138 : memref<1040xi32, #tpu.memory_space<vmem>>[vector<16xi32>], vector<16xi32>, vector<16xi1>
      %add3A_154 = arith.constant 1 : i32
      %add3A_155 = vector.broadcast %add3A_154 : i32 to vector<16xi32>
      %add3A_156 = arith.addi %mul3A_153, %add3A_155 : vector<16xi32>
      tpu.vector_store_idx %arg5[%add3A_156], %min3A_137 masked %lt3A_138 : memref<1040xi32, #tpu.memory_space<vmem>>[vector<16xi32>], vector<16xi32>, vector<16xi1>
      %add3A_157 = arith.constant 2 : i32
      %add3A_158 = vector.broadcast %add3A_157 : i32 to vector<16xi32>
      %add3A_159 = arith.addi %mul3A_153, %add3A_158 : vector<16xi32>
      tpu.vector_store_idx %arg5[%add3A_159], %max3A_107 masked %lt3A_138 : memref<1040xi32, #tpu.memory_space<vmem>>[vector<16xi32>], vector<16xi32>, vector<16xi1>
      %add3A_160 = arith.constant 3 : i32
      %add3A_161 = vector.broadcast %add3A_160 : i32 to vector<16xi32>
      %add3A_162 = arith.addi %mul3A_153, %add3A_161 : vector<16xi32>
      tpu.vector_store_idx %arg5[%add3A_162], %min3A_114 masked %lt3A_138 : memref<1040xi32, #tpu.memory_space<vmem>>[vector<16xi32>], vector<16xi32>, vector<16xi1>
      %add3A_163 = arith.constant 4 : i32
      %add3A_164 = vector.broadcast %add3A_163 : i32 to vector<16xi32>
      %add3A_165 = arith.addi %mul3A_153, %add3A_164 : vector<16xi32>
      %bitcast3A = vector.bitcast %gather3A_71 : vector<16xf32> to vector<16xi32>
      tpu.vector_store_idx %arg5[%add3A_165], %bitcast3A masked %lt3A_138 : memref<1040xi32, #tpu.memory_space<vmem>>[vector<16xi32>], vector<16xi32>, vector<16xi1>
      %slice3A = vector.extract_strided_slice %sub3A_150 {offsets = [15], sizes = [1], strides = [1]} : vector<16xi32> to vector<1xi32>
      %squeeze3A = vector.extract %slice3A[0] : i32 from vector<1xi32>
      %add3A_166 = arith.constant 1 : i32
      %add3A_167 = arith.addi %squeeze3A, %add3A_166 : i32
      scf.yield %add3A_167 : i32
    }
    %scan3A_48 = arith.constant 8 : i32
    %while3A = arith.constant 0 : i32
    %while3A_49 = arith.constant 0 : i32
    %while3A_50 = arith.subi %scan3A_47, %while3A_49 : i32
    %while3A_51 = arith.addi %while3A_49, %while3A_50 : i32
    %while3A_52 = arith.constant 1 : i32
    %while3A_53 = arith.divsi %while3A_50, %while3A_52 : i32
    %while3A_54 = arith.muli %while3A_53, %while3A_52 : i32
    %while3A_55 = arith.addi %while3A_49, %while3A_54 : i32
    %while3A_56 = arith.constant 1 : i32
    scf.for %while3A_58 = %while3A_49 to %while3A_55 step %while3A_56  : i32 {
      %mul3A_59 = arith.constant 8 : i32
      %mul3A_60 = arith.muli %while3A_58, %mul3A_59 : i32
      %get3A = arith.index_cast %mul3A_60 : i32 to index
      %get3A_61 = tpu.vector_load %arg5[%get3A] {strides = array<i32>} : memref<1040xi32, #tpu.memory_space<vmem>>, vector<16xi32>,
      %bitcast3A = vector.bitcast %get3A_61 : vector<16xi32> to vector<16xf32>
      %slice3A = vector.extract_strided_slice %get3A_61 {offsets = [0], sizes = [1], strides = [1]} : vector<16xi32> to vector<1xi32>
      %squeeze3A = vector.extract %slice3A[0] : i32 from vector<1xi32>
      %slice3A_62 = vector.extract_strided_slice %get3A_61 {offsets = [1], sizes = [1], strides = [1]} : vector<16xi32> to vector<1xi32>
      %squeeze3A_63 = vector.extract %slice3A_62[0] : i32 from vector<1xi32>
      %slice3A_64 = vector.extract_strided_slice %get3A_61 {offsets = [2], sizes = [1], strides = [1]} : vector<16xi32> to vector<1xi32>
      %squeeze3A_65 = vector.extract %slice3A_64[0] : i32 from vector<1xi32>
      %slice3A_66 = vector.extract_strided_slice %get3A_61 {offsets = [3], sizes = [1], strides = [1]} : vector<16xi32> to vector<1xi32>
      %squeeze3A_67 = vector.extract %slice3A_66[0] : i32 from vector<1xi32>
      %slice3A_68 = vector.extract_strided_slice %bitcast3A {offsets = [4], sizes = [1], strides = [1]} : vector<16xf32> to vector<1xf32>
      %squeeze3A_69 = vector.extract %slice3A_68[0] : f32 from vector<1xf32>
      %broadcast_in_dim3A_70 = vector.broadcast %squeeze3A_69 : f32 to vector<16xf32>
      %shift_right_arithmetic3A = arith.constant 4 : i32
      %shift_right_arithmetic3A_71 = arith.shrsi %squeeze3A_65, %shift_right_arithmetic3A : i32
      %add3A_72 = arith.constant 0 : i32
      %add3A_73 = arith.addi %shift_right_arithmetic3A_71, %add3A_72 : i32
      %mul3A_74 = arith.constant 16 : i32
      %mul3A_75 = arith.muli %add3A_73, %mul3A_74 : i32
      %min3A = arith.constant 496 : i32
      %min3A_76 = arith.minsi %mul3A_75, %min3A : i32
      %add3A_77 = vector.broadcast %min3A_76 : i32 to vector<16xi32>
      %add3A_78 = arith.addi %add3A_77, %iota3A : vector<16xi32>
      %ge3A = vector.broadcast %squeeze3A_65 : i32 to vector<16xi32>
      %ge3A_79 = arith.cmpi sge, %add3A_78, %ge3A : vector<16xi32>
      %lt3A_80 = vector.broadcast %squeeze3A_67 : i32 to vector<16xi32>
      %lt3A_81 = arith.cmpi slt, %add3A_78, %lt3A_80 : vector<16xi32>
      %and3A_82 = arith.andi %ge3A_79, %lt3A_81 : vector<16xi1>
      %add3A_83 = arith.constant 1 : i32
      %add3A_84 = arith.addi %shift_right_arithmetic3A_71, %add3A_83 : i32
      %mul3A_85 = arith.constant 16 : i32
      %mul3A_86 = arith.muli %add3A_84, %mul3A_85 : i32
      %min3A_87 = arith.constant 496 : i32
      %min3A_88 = arith.minsi %mul3A_86, %min3A_87 : i32
      %add3A_89 = vector.broadcast %min3A_88 : i32 to vector<16xi32>
      %add3A_90 = arith.addi %add3A_89, %iota3A : vector<16xi32>
      %ge3A_91 = vector.broadcast %squeeze3A_65 : i32 to vector<16xi32>
      %ge3A_92 = arith.cmpi sge, %add3A_90, %ge3A_91 : vector<16xi32>
      %lt3A_93 = vector.broadcast %squeeze3A_67 : i32 to vector<16xi32>
      %lt3A_94 = arith.cmpi slt, %add3A_90, %lt3A_93 : vector<16xi32>
      %and3A_95 = arith.andi %ge3A_92, %lt3A_94 : vector<16xi1>
      %add3A_96 = arith.constant 2 : i32
      %add3A_97 = arith.addi %shift_right_arithmetic3A_71, %add3A_96 : i32
      %mul3A_98 = arith.constant 16 : i32
      %mul3A_99 = arith.muli %add3A_97, %mul3A_98 : i32
      %min3A_100 = arith.constant 496 : i32
      %min3A_101 = arith.minsi %mul3A_99, %min3A_100 : i32
      %add3A_102 = vector.broadcast %min3A_101 : i32 to vector<16xi32>
      %add3A_103 = arith.addi %add3A_102, %iota3A : vector<16xi32>
      %ge3A_104 = vector.broadcast %squeeze3A_65 : i32 to vector<16xi32>
      %ge3A_105 = arith.cmpi sge, %add3A_103, %ge3A_104 : vector<16xi32>
      %lt3A_106 = vector.broadcast %squeeze3A_67 : i32 to vector<16xi32>
      %lt3A_107 = arith.cmpi slt, %add3A_103, %lt3A_106 : vector<16xi32>
      %and3A_108 = arith.andi %ge3A_105, %lt3A_107 : vector<16xi1>
      %add3A_109 = arith.constant 3 : i32
      %add3A_110 = arith.addi %shift_right_arithmetic3A_71, %add3A_109 : i32
      %mul3A_111 = arith.constant 16 : i32
      %mul3A_112 = arith.muli %add3A_110, %mul3A_111 : i32
      %min3A_113 = arith.constant 496 : i32
      %min3A_114 = arith.minsi %mul3A_112, %min3A_113 : i32
      %add3A_115 = vector.broadcast %min3A_114 : i32 to vector<16xi32>
      %add3A_116 = arith.addi %add3A_115, %iota3A : vector<16xi32>
      %ge3A_117 = vector.broadcast %squeeze3A_65 : i32 to vector<16xi32>
      %ge3A_118 = arith.cmpi sge, %add3A_116, %ge3A_117 : vector<16xi32>
      %lt3A_119 = vector.broadcast %squeeze3A_67 : i32 to vector<16xi32>
      %lt3A_120 = arith.cmpi slt, %add3A_116, %lt3A_119 : vector<16xi32>
      %and3A_121 = arith.andi %ge3A_118, %lt3A_120 : vector<16xi1>
      %add3A_122 = arith.constant 4 : i32
      %add3A_123 = arith.addi %shift_right_arithmetic3A_71, %add3A_122 : i32
      %mul3A_124 = arith.constant 16 : i32
      %mul3A_125 = arith.muli %add3A_123, %mul3A_124 : i32
      %min3A_126 = arith.constant 496 : i32
      %min3A_127 = arith.minsi %mul3A_125, %min3A_126 : i32
      %add3A_128 = vector.broadcast %min3A_127 : i32 to vector<16xi32>
      %add3A_129 = arith.addi %add3A_128, %iota3A : vector<16xi32>
      %ge3A_130 = vector.broadcast %squeeze3A_65 : i32 to vector<16xi32>
      %ge3A_131 = arith.cmpi sge, %add3A_129, %ge3A_130 : vector<16xi32>
      %lt3A_132 = vector.broadcast %squeeze3A_67 : i32 to vector<16xi32>
      %lt3A_133 = arith.cmpi slt, %add3A_129, %lt3A_132 : vector<16xi32>
      %and3A_134 = arith.andi %ge3A_131, %lt3A_133 : vector<16xi1>
      %while3A_135 = arith.constant 0 : i32
      %while3A_136 = arith.subi %squeeze3A_63, %squeeze3A : i32
      %while3A_137 = arith.addi %squeeze3A, %while3A_136 : i32
      %while3A_138 = arith.constant 1 : i32
      %while3A_139 = arith.divsi %while3A_136, %while3A_138 : i32
      %while3A_140 = arith.muli %while3A_139, %while3A_138 : i32
      %while3A_141 = arith.addi %squeeze3A, %while3A_140 : i32
      %while3A_142 = arith.constant 1 : i32
      scf.for %while3A_144 = %squeeze3A to %while3A_141 step %while3A_142  : i32 {
        %broadcast_in_dim3A_145 = vector.broadcast %while3A_144 : i32 to vector<16xi32>
        tpu.vector_store_idx %arg6[%broadcast_in_dim3A_145, %add3A_78], %broadcast_in_dim3A_70 masked %and3A_82 : memref<64x512xf32, #tpu.memory_space<vmem>>[vector<16xi32>, vector<16xi32>], vector<16xf32>, vector<16xi1>
        tpu.vector_store_idx %arg6[%broadcast_in_dim3A_145, %add3A_90], %broadcast_in_dim3A_70 masked %and3A_95 : memref<64x512xf32, #tpu.memory_space<vmem>>[vector<16xi32>, vector<16xi32>], vector<16xf32>, vector<16xi1>
        tpu.vector_store_idx %arg6[%broadcast_in_dim3A_145, %add3A_103], %broadcast_in_dim3A_70 masked %and3A_108 : memref<64x512xf32, #tpu.memory_space<vmem>>[vector<16xi32>, vector<16xi32>], vector<16xf32>, vector<16xi1>
        tpu.vector_store_idx %arg6[%broadcast_in_dim3A_145, %add3A_116], %broadcast_in_dim3A_70 masked %and3A_121 : memref<64x512xf32, #tpu.memory_space<vmem>>[vector<16xi32>, vector<16xi32>], vector<16xf32>, vector<16xi1>
        tpu.vector_store_idx %arg6[%broadcast_in_dim3A_145, %add3A_129], %broadcast_in_dim3A_70 masked %and3A_134 : memref<64x512xf32, #tpu.memory_space<vmem>>[vector<16xi32>, vector<16xi32>], vector<16xf32>, vector<16xi1>
      }
      %while3A_143 = arith.constant 1 : i32
      scf.for %while3A_144 = %while3A_141 to %while3A_137 step %while3A_143  : i32 {
        %broadcast_in_dim3A_145 = vector.broadcast %while3A_144 : i32 to vector<16xi32>
        tpu.vector_store_idx %arg6[%broadcast_in_dim3A_145, %add3A_78], %broadcast_in_dim3A_70 masked %and3A_82 : memref<64x512xf32, #tpu.memory_space<vmem>>[vector<16xi32>, vector<16xi32>], vector<16xf32>, vector<16xi1>
        tpu.vector_store_idx %arg6[%broadcast_in_dim3A_145, %add3A_90], %broadcast_in_dim3A_70 masked %and3A_95 : memref<64x512xf32, #tpu.memory_space<vmem>>[vector<16xi32>, vector<16xi32>], vector<16xf32>, vector<16xi1>
        tpu.vector_store_idx %arg6[%broadcast_in_dim3A_145, %add3A_103], %broadcast_in_dim3A_70 masked %and3A_108 : memref<64x512xf32, #tpu.memory_space<vmem>>[vector<16xi32>, vector<16xi32>], vector<16xf32>, vector<16xi1>
        tpu.vector_store_idx %arg6[%broadcast_in_dim3A_145, %add3A_116], %broadcast_in_dim3A_70 masked %and3A_121 : memref<64x512xf32, #tpu.memory_space<vmem>>[vector<16xi32>, vector<16xi32>], vector<16xf32>, vector<16xi1>
        tpu.vector_store_idx %arg6[%broadcast_in_dim3A_145, %add3A_129], %broadcast_in_dim3A_70 masked %and3A_134 : memref<64x512xf32, #tpu.memory_space<vmem>>[vector<16xi32>, vector<16xi32>], vector<16xf32>, vector<16xi1>
      }
    }
    %while3A_57 = arith.constant 1 : i32
    scf.for %while3A_58 = %while3A_55 to %while3A_51 step %while3A_57  : i32 {
      %mul3A_59 = arith.constant 8 : i32
      %mul3A_60 = arith.muli %while3A_58, %mul3A_59 : i32
      %get3A = arith.index_cast %mul3A_60 : i32 to index
      %get3A_61 = tpu.vector_load %arg5[%get3A] {strides = array<i32>} : memref<1040xi32, #tpu.memory_space<vmem>>, vector<16xi32>,
      %bitcast3A = vector.bitcast %get3A_61 : vector<16xi32> to vector<16xf32>
      %slice3A = vector.extract_strided_slice %get3A_61 {offsets = [0], sizes = [1], strides = [1]} : vector<16xi32> to vector<1xi32>
      %squeeze3A = vector.extract %slice3A[0] : i32 from vector<1xi32>
      %slice3A_62 = vector.extract_strided_slice %get3A_61 {offsets = [1], sizes = [1], strides = [1]} : vector<16xi32> to vector<1xi32>
      %squeeze3A_63 = vector.extract %slice3A_62[0] : i32 from vector<1xi32>
      %slice3A_64 = vector.extract_strided_slice %get3A_61 {offsets = [2], sizes = [1], strides = [1]} : vector<16xi32> to vector<1xi32>
      %squeeze3A_65 = vector.extract %slice3A_64[0] : i32 from vector<1xi32>
      %slice3A_66 = vector.extract_strided_slice %get3A_61 {offsets = [3], sizes = [1], strides = [1]} : vector<16xi32> to vector<1xi32>
      %squeeze3A_67 = vector.extract %slice3A_66[0] : i32 from vector<1xi32>
      %slice3A_68 = vector.extract_strided_slice %bitcast3A {offsets = [4], sizes = [1], strides = [1]} : vector<16xf32> to vector<1xf32>
      %squeeze3A_69 = vector.extract %slice3A_68[0] : f32 from vector<1xf32>
      %broadcast_in_dim3A_70 = vector.broadcast %squeeze3A_69 : f32 to vector<16xf32>
      %shift_right_arithmetic3A = arith.constant 4 : i32
      %shift_right_arithmetic3A_71 = arith.shrsi %squeeze3A_65, %shift_right_arithmetic3A : i32
      %add3A_72 = arith.constant 0 : i32
      %add3A_73 = arith.addi %shift_right_arithmetic3A_71, %add3A_72 : i32
      %mul3A_74 = arith.constant 16 : i32
      %mul3A_75 = arith.muli %add3A_73, %mul3A_74 : i32
      %min3A = arith.constant 496 : i32
      %min3A_76 = arith.minsi %mul3A_75, %min3A : i32
      %add3A_77 = vector.broadcast %min3A_76 : i32 to vector<16xi32>
      %add3A_78 = arith.addi %add3A_77, %iota3A : vector<16xi32>
      %ge3A = vector.broadcast %squeeze3A_65 : i32 to vector<16xi32>
      %ge3A_79 = arith.cmpi sge, %add3A_78, %ge3A : vector<16xi32>
      %lt3A_80 = vector.broadcast %squeeze3A_67 : i32 to vector<16xi32>
      %lt3A_81 = arith.cmpi slt, %add3A_78, %lt3A_80 : vector<16xi32>
      %and3A_82 = arith.andi %ge3A_79, %lt3A_81 : vector<16xi1>
      %add3A_83 = arith.constant 1 : i32
      %add3A_84 = arith.addi %shift_right_arithmetic3A_71, %add3A_83 : i32
      %mul3A_85 = arith.constant 16 : i32
      %mul3A_86 = arith.muli %add3A_84, %mul3A_85 : i32
      %min3A_87 = arith.constant 496 : i32
      %min3A_88 = arith.minsi %mul3A_86, %min3A_87 : i32
      %add3A_89 = vector.broadcast %min3A_88 : i32 to vector<16xi32>
      %add3A_90 = arith.addi %add3A_89, %iota3A : vector<16xi32>
      %ge3A_91 = vector.broadcast %squeeze3A_65 : i32 to vector<16xi32>
      %ge3A_92 = arith.cmpi sge, %add3A_90, %ge3A_91 : vector<16xi32>
      %lt3A_93 = vector.broadcast %squeeze3A_67 : i32 to vector<16xi32>
      %lt3A_94 = arith.cmpi slt, %add3A_90, %lt3A_93 : vector<16xi32>
      %and3A_95 = arith.andi %ge3A_92, %lt3A_94 : vector<16xi1>
      %add3A_96 = arith.constant 2 : i32
      %add3A_97 = arith.addi %shift_right_arithmetic3A_71, %add3A_96 : i32
      %mul3A_98 = arith.constant 16 : i32
      %mul3A_99 = arith.muli %add3A_97, %mul3A_98 : i32
      %min3A_100 = arith.constant 496 : i32
      %min3A_101 = arith.minsi %mul3A_99, %min3A_100 : i32
      %add3A_102 = vector.broadcast %min3A_101 : i32 to vector<16xi32>
      %add3A_103 = arith.addi %add3A_102, %iota3A : vector<16xi32>
      %ge3A_104 = vector.broadcast %squeeze3A_65 : i32 to vector<16xi32>
      %ge3A_105 = arith.cmpi sge, %add3A_103, %ge3A_104 : vector<16xi32>
      %lt3A_106 = vector.broadcast %squeeze3A_67 : i32 to vector<16xi32>
      %lt3A_107 = arith.cmpi slt, %add3A_103, %lt3A_106 : vector<16xi32>
      %and3A_108 = arith.andi %ge3A_105, %lt3A_107 : vector<16xi1>
      %add3A_109 = arith.constant 3 : i32
      %add3A_110 = arith.addi %shift_right_arithmetic3A_71, %add3A_109 : i32
      %mul3A_111 = arith.constant 16 : i32
      %mul3A_112 = arith.muli %add3A_110, %mul3A_111 : i32
      %min3A_113 = arith.constant 496 : i32
      %min3A_114 = arith.minsi %mul3A_112, %min3A_113 : i32
      %add3A_115 = vector.broadcast %min3A_114 : i32 to vector<16xi32>
      %add3A_116 = arith.addi %add3A_115, %iota3A : vector<16xi32>
      %ge3A_117 = vector.broadcast %squeeze3A_65 : i32 to vector<16xi32>
      %ge3A_118 = arith.cmpi sge, %add3A_116, %ge3A_117 : vector<16xi32>
      %lt3A_119 = vector.broadcast %squeeze3A_67 : i32 to vector<16xi32>
      %lt3A_120 = arith.cmpi slt, %add3A_116, %lt3A_119 : vector<16xi32>
      %and3A_121 = arith.andi %ge3A_118, %lt3A_120 : vector<16xi1>
      %add3A_122 = arith.constant 4 : i32
      %add3A_123 = arith.addi %shift_right_arithmetic3A_71, %add3A_122 : i32
      %mul3A_124 = arith.constant 16 : i32
      %mul3A_125 = arith.muli %add3A_123, %mul3A_124 : i32
      %min3A_126 = arith.constant 496 : i32
      %min3A_127 = arith.minsi %mul3A_125, %min3A_126 : i32
      %add3A_128 = vector.broadcast %min3A_127 : i32 to vector<16xi32>
      %add3A_129 = arith.addi %add3A_128, %iota3A : vector<16xi32>
      %ge3A_130 = vector.broadcast %squeeze3A_65 : i32 to vector<16xi32>
      %ge3A_131 = arith.cmpi sge, %add3A_129, %ge3A_130 : vector<16xi32>
      %lt3A_132 = vector.broadcast %squeeze3A_67 : i32 to vector<16xi32>
      %lt3A_133 = arith.cmpi slt, %add3A_129, %lt3A_132 : vector<16xi32>
      %and3A_134 = arith.andi %ge3A_131, %lt3A_133 : vector<16xi1>
      %while3A_135 = arith.constant 0 : i32
      %while3A_136 = arith.subi %squeeze3A_63, %squeeze3A : i32
      %while3A_137 = arith.addi %squeeze3A, %while3A_136 : i32
      %while3A_138 = arith.constant 1 : i32
      %while3A_139 = arith.divsi %while3A_136, %while3A_138 : i32
      %while3A_140 = arith.muli %while3A_139, %while3A_138 : i32
      %while3A_141 = arith.addi %squeeze3A, %while3A_140 : i32
      %while3A_142 = arith.constant 1 : i32
      scf.for %while3A_144 = %squeeze3A to %while3A_141 step %while3A_142  : i32 {
        %broadcast_in_dim3A_145 = vector.broadcast %while3A_144 : i32 to vector<16xi32>
        tpu.vector_store_idx %arg6[%broadcast_in_dim3A_145, %add3A_78], %broadcast_in_dim3A_70 masked %and3A_82 : memref<64x512xf32, #tpu.memory_space<vmem>>[vector<16xi32>, vector<16xi32>], vector<16xf32>, vector<16xi1>
        tpu.vector_store_idx %arg6[%broadcast_in_dim3A_145, %add3A_90], %broadcast_in_dim3A_70 masked %and3A_95 : memref<64x512xf32, #tpu.memory_space<vmem>>[vector<16xi32>, vector<16xi32>], vector<16xf32>, vector<16xi1>
        tpu.vector_store_idx %arg6[%broadcast_in_dim3A_145, %add3A_103], %broadcast_in_dim3A_70 masked %and3A_108 : memref<64x512xf32, #tpu.memory_space<vmem>>[vector<16xi32>, vector<16xi32>], vector<16xf32>, vector<16xi1>
        tpu.vector_store_idx %arg6[%broadcast_in_dim3A_145, %add3A_116], %broadcast_in_dim3A_70 masked %and3A_121 : memref<64x512xf32, #tpu.memory_space<vmem>>[vector<16xi32>, vector<16xi32>], vector<16xf32>, vector<16xi1>
        tpu.vector_store_idx %arg6[%broadcast_in_dim3A_145, %add3A_129], %broadcast_in_dim3A_70 masked %and3A_134 : memref<64x512xf32, #tpu.memory_space<vmem>>[vector<16xi32>, vector<16xi32>], vector<16xf32>, vector<16xi1>
      }
      %while3A_143 = arith.constant 1 : i32
      scf.for %while3A_144 = %while3A_141 to %while3A_137 step %while3A_143  : i32 {
        %broadcast_in_dim3A_145 = vector.broadcast %while3A_144 : i32 to vector<16xi32>
        tpu.vector_store_idx %arg6[%broadcast_in_dim3A_145, %add3A_78], %broadcast_in_dim3A_70 masked %and3A_82 : memref<64x512xf32, #tpu.memory_space<vmem>>[vector<16xi32>, vector<16xi32>], vector<16xf32>, vector<16xi1>
        tpu.vector_store_idx %arg6[%broadcast_in_dim3A_145, %add3A_90], %broadcast_in_dim3A_70 masked %and3A_95 : memref<64x512xf32, #tpu.memory_space<vmem>>[vector<16xi32>, vector<16xi32>], vector<16xf32>, vector<16xi1>
        tpu.vector_store_idx %arg6[%broadcast_in_dim3A_145, %add3A_103], %broadcast_in_dim3A_70 masked %and3A_108 : memref<64x512xf32, #tpu.memory_space<vmem>>[vector<16xi32>, vector<16xi32>], vector<16xf32>, vector<16xi1>
        tpu.vector_store_idx %arg6[%broadcast_in_dim3A_145, %add3A_116], %broadcast_in_dim3A_70 masked %and3A_121 : memref<64x512xf32, #tpu.memory_space<vmem>>[vector<16xi32>, vector<16xi32>], vector<16xf32>, vector<16xi1>
        tpu.vector_store_idx %arg6[%broadcast_in_dim3A_145, %add3A_129], %broadcast_in_dim3A_70 masked %and3A_134 : memref<64x512xf32, #tpu.memory_space<vmem>>[vector<16xi32>, vector<16xi32>], vector<16xf32>, vector<16xi1>
      }
    }
    "tpu.region"() ({
      %run_scoped3A = tpu.sem_alloc : memref<!tpu.dma_semaphore, #tpu.memory_space<semaphore_mem>>
      %dma_start3A = arith.constant 0 : i32
      %dma_start3A_58 = tpu.memref_slice %arg3[%select_n3A, %mul3A_32, %dma_start3A] : memref<4x512x512xf32, #tpu.memory_space<hbm>> -> memref<1x64x512xf32, #tpu.memory_space<hbm>>
      %dma_start3A_59 = tpu.memref_squeeze %dma_start3A_58 : memref<1x64x512xf32, #tpu.memory_space<hbm>> -> memref<64x512xf32, #tpu.memory_space<hbm>>
      %dma_start3A_60 = arith.constant 0 : i32
      %dma_start3A_61 = tpu.memref_slice %arg3[%select_n3A, %mul3A_32, %dma_start3A_60] : memref<4x512x512xf32, #tpu.memory_space<hbm>> -> memref<1x64x512xf32, #tpu.memory_space<hbm>>
      %dma_start3A_62 = tpu.memref_squeeze %dma_start3A_61 : memref<1x64x512xf32, #tpu.memory_space<hbm>> -> memref<64x512xf32, #tpu.memory_space<hbm>>
      tpu.enqueue_dma source(%arg6 : memref<64x512xf32, #tpu.memory_space<vmem>>) target(%dma_start3A_62 : memref<64x512xf32, #tpu.memory_space<hbm>>) target_semaphore(%run_scoped3A : memref<!tpu.dma_semaphore, #tpu.memory_space<semaphore_mem>>)
      %dma_wait3A = arith.constant 0 : i32
      %dma_wait3A_63 = tpu.memref_slice %arg3[%select_n3A, %mul3A_32, %dma_wait3A] : memref<4x512x512xf32, #tpu.memory_space<hbm>> -> memref<1x64x512xf32, #tpu.memory_space<hbm>>
      %dma_wait3A_64 = tpu.memref_squeeze %dma_wait3A_63 : memref<1x64x512xf32, #tpu.memory_space<hbm>> -> memref<64x512xf32, #tpu.memory_space<hbm>>
      %dma_wait3A_65 = arith.constant 0 : i32
      %dma_wait3A_66 = tpu.memref_slice %arg3[%select_n3A, %mul3A_32, %dma_wait3A_65] : memref<4x512x512xf32, #tpu.memory_space<hbm>> -> memref<1x64x512xf32, #tpu.memory_space<hbm>>
      %dma_wait3A_67 = tpu.memref_squeeze %dma_wait3A_66 : memref<1x64x512xf32, #tpu.memory_space<hbm>> -> memref<64x512xf32, #tpu.memory_space<hbm>>
      tpu.wait_dma2 semaphore(%run_scoped3A : memref<!tpu.dma_semaphore, #tpu.memory_space<semaphore_mem>>) src(%arg6 : memref<64x512xf32, #tpu.memory_space<vmem>>) dst(%dma_wait3A_67 : memref<64x512xf32, #tpu.memory_space<hbm>>)
      tpu.yield
    }) : () -> ()
    return
  }
}

module attributes {stable_mosaic.version = 14 : i64} {
  func.func @_feat_body(%arg0: i32, %arg1: memref<128x128xf32, #tpu.memory_space<vmem>>, %arg2: memref<1x64x128x128xf32, #tpu.memory_space<vmem>>, %arg3: memref<1x128x128xf32, #tpu.memory_space<vmem>>, %arg4: memref<1x1xf32, #tpu.memory_space<vmem>>) attributes {dimension_semantics = [#tpu.dimension_semantics<arbitrary>], iteration_bounds = array<i64: 4>, scalar_prefetch = 0 : i64, scratch_operands = 0 : i64, tpu.core_type = #tpu.core_type<tc>, window_params = [{pipeline_mode = #tpu.pipeline_mode<synchronous>, transform_indices = @transform_0, window_bounds = array<i64: 128, 128>}, {transform_indices = @transform_1, window_bounds = array<i64: 1, 64, 128, 128>}, {transform_indices = @transform_2, window_bounds = array<i64: 1, 128, 128>}, {pipeline_mode = #tpu.pipeline_mode<synchronous>, transform_indices = @transform_3, window_bounds = array<i64: 1, 1>}]} {
    %get3A = arith.constant 0 : index
    %get3A_0 = arith.constant 0 : index
    %get3A_1 = arith.constant 0 : index
    %get3A_2 = arith.constant 0 : index
    %get3A_3 = vector.load %arg2[%get3A, %get3A_0, %get3A_1, %get3A_2] : memref<1x64x128x128xf32, #tpu.memory_space<vmem>>, vector<1x64x128x128xf32>
    %get3A_4 = vector.shape_cast %get3A_3 : vector<1x64x128x128xf32> to vector<64x128x128xf32>
    %reduce_sum3A = arith.constant dense<0.000000e+00> : vector<128x128xf32>
    %reduce_sum3A_5 = vector.multi_reduction <add>, %get3A_4, %reduce_sum3A [0] : vector<64x128x128xf32> to vector<128x128xf32>
    %swap3A = arith.constant 0 : index
    %swap3A_6 = arith.constant 0 : index
    %swap3A_7 = arith.constant 0 : index
    %swap3A_8 = vector.load %arg3[%swap3A, %swap3A_6, %swap3A_7] : memref<1x128x128xf32, #tpu.memory_space<vmem>>, vector<1x128x128xf32>
    %swap3A_9 = vector.shape_cast %swap3A_8 : vector<1x128x128xf32> to vector<128x128xf32>
    %swap3A_10 = vector.shape_cast %reduce_sum3A_5 : vector<128x128xf32> to vector<1x128x128xf32>
    tpu.vector_store %arg3[%swap3A, %swap3A_6, %swap3A_7], %swap3A_10 {strides = array<i32>} : memref<1x128x128xf32, #tpu.memory_space<vmem>>, vector<1x128x128xf32>,
    %get3A_11 = arith.constant 0 : index
    %get3A_12 = arith.constant 0 : index
    %get3A_13 = vector.load %arg1[%get3A_11, %get3A_12] : memref<128x128xf32, #tpu.memory_space<vmem>>, vector<128x128xf32>
    %dot_general3A = arith.constant dense<0.000000e+00> : vector<64x128x128xf32>
    %dot_general3A_14 = tpu.matmul %get3A_4, %get3A_13, %dot_general3A {dimension_numbers = #tpu.dot_dimension_numbers<[2], [0], [0, 1], [1], [0, 0, 0, 1, 1, 1], [], []>, transpose_lhs_hint = false} : vector<64x128x128xf32>, vector<128x128xf32>, vector<64x128x128xf32> -> vector<64x128x128xf32>
    %dot_general3A_15 = arith.constant dense<0.000000e+00> : vector<64x128x128xf32>
    %dot_general3A_16 = tpu.matmul %get3A_4, %dot_general3A_14, %dot_general3A_15 {dimension_numbers = #tpu.dot_dimension_numbers<[2], [2], [1], [1], [0, 0, 0, 1, 1, 1], [0], [0]>, transpose_lhs_hint = false} : vector<64x128x128xf32>, vector<64x128x128xf32>, vector<64x128x128xf32> -> vector<64x128x128xf32>
    %broadcast_in_dim3A = vector.shape_cast %get3A_13 : vector<128x128xf32> to vector<1x128x128xf32>
    %mul3A = vector.broadcast %broadcast_in_dim3A : vector<1x128x128xf32> to vector<64x128x128xf32>
    %mul3A_17 = arith.mulf %dot_general3A_16, %mul3A : vector<64x128x128xf32>
    %reduce_sum3A_18 = vector.shape_cast %mul3A_17 : vector<64x128x128xf32> to vector<1x64x128x128xf32>
    %reduce_sum3A_19 = arith.constant dense<0.000000e+00> : vector<1xf32>
    %reduce_sum3A_20 = vector.multi_reduction <add>, %reduce_sum3A_18, %reduce_sum3A_19 [1, 2, 3] : vector<1x64x128x128xf32> to vector<1xf32>
    %reduce_sum3A_21 = vector.shape_cast %reduce_sum3A_20 : vector<1xf32> to vector<1x1x1x1xf32>
    %reduce_sum3A_22 = vector.extract %reduce_sum3A_21[0, 0, 0, 0] : f32 from vector<1x1x1x1xf32>
    %eq3A = arith.constant 0 : i32
    %eq3A_23 = arith.cmpi eq, %arg0, %eq3A : i32
    %convert_element_type3A = arith.extui %eq3A_23 : i1 to i32
    %cond3A = arith.constant 0 : i32
    %cond3A_24 = arith.cmpi ne, %convert_element_type3A, %cond3A : i32
    scf.if %cond3A_24 {
      %broadcast_in_dim3A_32 = arith.constant 0.000000e+00 : f32
      %broadcast_in_dim3A_33 = vector.broadcast %broadcast_in_dim3A_32 : f32 to vector<1x1xf32>
      %swap3A_34 = arith.constant 0 : index
      %swap3A_35 = arith.constant 0 : index
      %swap3A_36 = vector.load %arg4[%swap3A_34, %swap3A_35] : memref<1x1xf32, #tpu.memory_space<vmem>>, vector<1x1xf32>
      tpu.vector_store %arg4[%swap3A_34, %swap3A_35], %broadcast_in_dim3A_33 {strides = array<i32>} : memref<1x1xf32, #tpu.memory_space<vmem>>, vector<1x1xf32>,
    } else {
    }
    %get3A_25 = arith.constant 0 : index
    %get3A_26 = arith.constant 0 : index
    %get3A_27 = vector.load %arg4[%get3A_25, %get3A_26] : memref<1x1xf32, #tpu.memory_space<vmem>>, vector<1x1xf32>
    %add3A = vector.broadcast %reduce_sum3A_22 : f32 to vector<1x1xf32>
    %add3A_28 = arith.addf %get3A_27, %add3A : vector<1x1xf32>
    %swap3A_29 = arith.constant 0 : index
    %swap3A_30 = arith.constant 0 : index
    %swap3A_31 = vector.load %arg4[%swap3A_29, %swap3A_30] : memref<1x1xf32, #tpu.memory_space<vmem>>, vector<1x1xf32>
    tpu.vector_store %arg4[%swap3A_29, %swap3A_30], %add3A_28 {strides = array<i32>} : memref<1x1xf32, #tpu.memory_space<vmem>>, vector<1x1xf32>,
    return
  }
  func.func @transform_0(%arg0: i32) -> (i32, i32) {
    %c0_i32 = arith.constant 0 : i32
    %c0_i32_0 = arith.constant 0 : i32
    %c0_i32_1 = arith.constant 0 : i32
    return %c0_i32, %c0_i32_0 : i32, i32
  }
  func.func @transform_1(%arg0: i32) -> (i32, i32, i32, i32) {
    %c0_i32 = arith.constant 0 : i32
    %c0_i32_0 = arith.constant 0 : i32
    %c0_i32_1 = arith.constant 0 : i32
    %c0_i32_2 = arith.constant 0 : i32
    return %arg0, %c0_i32, %c0_i32_0, %c0_i32_1 : i32, i32, i32, i32
  }
  func.func @transform_2(%arg0: i32) -> (i32, i32, i32) {
    %c0_i32 = arith.constant 0 : i32
    %c0_i32_0 = arith.constant 0 : i32
    %c0_i32_1 = arith.constant 0 : i32
    return %arg0, %c0_i32, %c0_i32_0 : i32, i32, i32
  }
  func.func @transform_3(%arg0: i32) -> (i32, i32) {
    %c0_i32 = arith.constant 0 : i32
    %c0_i32_0 = arith.constant 0 : i32
    %c0_i32_1 = arith.constant 0 : i32
    return %c0_i32, %c0_i32_0 : i32, i32
  }
}

module attributes {stable_mosaic.version = 14 : i64} {
  func.func @_reduce_body(%arg0: i32, %arg1: memref<128x512xf32, #tpu.memory_space<vmem>>, %arg2: memref<512x128xf32, #tpu.memory_space<vmem>>, %arg3: memref<1x1xf32, #tpu.memory_space<vmem>>, %arg4: memref<1x512x512xf32, #tpu.memory_space<vmem>>, %arg5: memref<1x128x128xf32, #tpu.memory_space<vmem>>, %arg6: memref<1x1xf32, #tpu.memory_space<vmem>>) attributes {dimension_semantics = [#tpu.dimension_semantics<arbitrary>], iteration_bounds = array<i64: 4>, scalar_prefetch = 0 : i64, scratch_operands = 0 : i64, tpu.core_type = #tpu.core_type<tc>, window_params = [{pipeline_mode = #tpu.pipeline_mode<synchronous>, transform_indices = @transform_0, window_bounds = array<i64: 128, 512>}, {pipeline_mode = #tpu.pipeline_mode<synchronous>, transform_indices = @transform_1, window_bounds = array<i64: 512, 128>}, {pipeline_mode = #tpu.pipeline_mode<synchronous>, transform_indices = @transform_2, window_bounds = array<i64: 1, 1>}, {transform_indices = @transform_3, window_bounds = array<i64: 1, 512, 512>}, {transform_indices = @transform_4, window_bounds = array<i64: 1, 128, 128>}, {pipeline_mode = #tpu.pipeline_mode<synchronous>, transform_indices = @transform_5, window_bounds = array<i64: 1, 1>}]} {
    %get3A = arith.constant 0 : index
    %get3A_0 = arith.constant 0 : index
    %get3A_1 = arith.constant 0 : index
    %get3A_2 = vector.load %arg4[%get3A, %get3A_0, %get3A_1] : memref<1x512x512xf32, #tpu.memory_space<vmem>>, vector<1x512x512xf32>
    %get3A_3 = vector.shape_cast %get3A_2 : vector<1x512x512xf32> to vector<512x512xf32>
    %get3A_4 = arith.constant 0 : index
    %get3A_5 = arith.constant 0 : index
    %get3A_6 = vector.load %arg1[%get3A_4, %get3A_5] : memref<128x512xf32, #tpu.memory_space<vmem>>, vector<128x512xf32>
    %dot_general3A = arith.constant dense<0.000000e+00> : vector<128x512xf32>
    %dot_general3A_7 = tpu.matmul %get3A_6, %get3A_3, %dot_general3A {dimension_numbers = #tpu.dot_dimension_numbers<[1], [0], [0], [1], [0, 0, 1, 1], [], []>, transpose_lhs_hint = false} : vector<128x512xf32>, vector<512x512xf32>, vector<128x512xf32> -> vector<128x512xf32>
    %get3A_8 = arith.constant 0 : index
    %get3A_9 = arith.constant 0 : index
    %get3A_10 = vector.load %arg2[%get3A_8, %get3A_9] : memref<512x128xf32, #tpu.memory_space<vmem>>, vector<512x128xf32>
    %dot_general3A_11 = arith.constant dense<0.000000e+00> : vector<128x128xf32>
    %dot_general3A_12 = tpu.matmul %dot_general3A_7, %get3A_10, %dot_general3A_11 {dimension_numbers = #tpu.dot_dimension_numbers<[1], [0], [0], [1], [0, 0, 1, 1], [], []>, transpose_lhs_hint = false} : vector<128x512xf32>, vector<512x128xf32>, vector<128x128xf32> -> vector<128x128xf32>
    %get3A_13 = arith.constant 0 : index
    %get3A_14 = arith.constant 0 : index
    %get3A_15 = arith.constant 0 : index
    %get3A_16 = vector.load %arg5[%get3A_13, %get3A_14, %get3A_15] : memref<1x128x128xf32, #tpu.memory_space<vmem>>, vector<1x128x128xf32>
    %get3A_17 = vector.shape_cast %get3A_16 : vector<1x128x128xf32> to vector<128x128xf32>
    %mul3A = arith.mulf %get3A_17, %dot_general3A_12 : vector<128x128xf32>
    %reduce_sum3A = vector.shape_cast %mul3A : vector<128x128xf32> to vector<1x128x128xf32>
    %reduce_sum3A_18 = arith.constant dense<0.000000e+00> : vector<1xf32>
    %reduce_sum3A_19 = vector.multi_reduction <add>, %reduce_sum3A, %reduce_sum3A_18 [1, 2] : vector<1x128x128xf32> to vector<1xf32>
    %reduce_sum3A_20 = vector.shape_cast %reduce_sum3A_19 : vector<1xf32> to vector<1x1x1xf32>
    %reduce_sum3A_21 = vector.extract %reduce_sum3A_20[0, 0, 0] : f32 from vector<1x1x1xf32>
    %mul3A_22 = arith.mulf %get3A_3, %get3A_3 : vector<512x512xf32>
    %reduce_sum3A_23 = vector.shape_cast %mul3A_22 : vector<512x512xf32> to vector<1x512x512xf32>
    %reduce_sum3A_24 = arith.constant dense<0.000000e+00> : vector<1xf32>
    %reduce_sum3A_25 = vector.multi_reduction <add>, %reduce_sum3A_23, %reduce_sum3A_24 [1, 2] : vector<1x512x512xf32> to vector<1xf32>
    %reduce_sum3A_26 = vector.shape_cast %reduce_sum3A_25 : vector<1xf32> to vector<1x1x1xf32>
    %reduce_sum3A_27 = vector.extract %reduce_sum3A_26[0, 0, 0] : f32 from vector<1x1x1xf32>
    %eq3A = arith.constant 0 : i32
    %eq3A_28 = arith.cmpi eq, %arg0, %eq3A : i32
    %convert_element_type3A = arith.extui %eq3A_28 : i1 to i32
    %cond3A = arith.constant 0 : i32
    %cond3A_29 = arith.cmpi ne, %convert_element_type3A, %cond3A : i32
    scf.if %cond3A_29 {
      %get3A_42 = arith.constant 0 : index
      %get3A_43 = arith.constant 0 : index
      %get3A_44 = vector.load %arg3[%get3A_42, %get3A_43] : memref<1x1xf32, #tpu.memory_space<vmem>>, vector<1x1xf32>
      %mul3A_45 = arith.constant 1.49011612E-8 : f32
      %mul3A_46 = vector.broadcast %mul3A_45 : f32 to vector<1x1xf32>
      %mul3A_47 = arith.mulf %get3A_44, %mul3A_46 : vector<1x1xf32>
      %swap3A_48 = arith.constant 0 : index
      %swap3A_49 = arith.constant 0 : index
      %swap3A_50 = vector.load %arg6[%swap3A_48, %swap3A_49] : memref<1x1xf32, #tpu.memory_space<vmem>>, vector<1x1xf32>
      tpu.vector_store %arg6[%swap3A_48, %swap3A_49], %mul3A_47 {strides = array<i32>} : memref<1x1xf32, #tpu.memory_space<vmem>>, vector<1x1xf32>,
    } else {
    }
    %get3A_30 = arith.constant 0 : index
    %get3A_31 = arith.constant 0 : index
    %get3A_32 = vector.load %arg6[%get3A_30, %get3A_31] : memref<1x1xf32, #tpu.memory_space<vmem>>, vector<1x1xf32>
    %mul3A_33 = arith.constant 6.400000e+01 : f32
    %mul3A_34 = arith.mulf %mul3A_33, %reduce_sum3A_27 : f32
    %mul3A_35 = arith.constant 2.000000e+00 : f32
    %mul3A_36 = arith.mulf %mul3A_35, %reduce_sum3A_21 : f32
    %sub3A = arith.subf %mul3A_34, %mul3A_36 : f32
    %mul3A_37 = arith.constant 1.49011612E-8 : f32
    %mul3A_38 = arith.mulf %sub3A, %mul3A_37 : f32
    %add3A = vector.broadcast %mul3A_38 : f32 to vector<1x1xf32>
    %add3A_39 = arith.addf %get3A_32, %add3A : vector<1x1xf32>
    %swap3A = arith.constant 0 : index
    %swap3A_40 = arith.constant 0 : index
    %swap3A_41 = vector.load %arg6[%swap3A, %swap3A_40] : memref<1x1xf32, #tpu.memory_space<vmem>>, vector<1x1xf32>
    tpu.vector_store %arg6[%swap3A, %swap3A_40], %add3A_39 {strides = array<i32>} : memref<1x1xf32, #tpu.memory_space<vmem>>, vector<1x1xf32>,
    return
  }
  func.func @transform_0(%arg0: i32) -> (i32, i32) {
    %c0_i32 = arith.constant 0 : i32
    %c0_i32_0 = arith.constant 0 : i32
    %c0_i32_1 = arith.constant 0 : i32
    return %c0_i32, %c0_i32_0 : i32, i32
  }
  func.func @transform_1(%arg0: i32) -> (i32, i32) {
    %c0_i32 = arith.constant 0 : i32
    %c0_i32_0 = arith.constant 0 : i32
    %c0_i32_1 = arith.constant 0 : i32
    return %c0_i32, %c0_i32_0 : i32, i32
  }
  func.func @transform_2(%arg0: i32) -> (i32, i32) {
    %c0_i32 = arith.constant 0 : i32
    %c0_i32_0 = arith.constant 0 : i32
    %c0_i32_1 = arith.constant 0 : i32
    return %c0_i32, %c0_i32_0 : i32, i32
  }
  func.func @transform_3(%arg0: i32) -> (i32, i32, i32) {
    %c0_i32 = arith.constant 0 : i32
    %c0_i32_0 = arith.constant 0 : i32
    %c0_i32_1 = arith.constant 0 : i32
    return %arg0, %c0_i32, %c0_i32_0 : i32, i32, i32
  }
  func.func @transform_4(%arg0: i32) -> (i32, i32, i32) {
    %c0_i32 = arith.constant 0 : i32
    %c0_i32_0 = arith.constant 0 : i32
    %c0_i32_1 = arith.constant 0 : i32
    return %arg0, %c0_i32, %c0_i32_0 : i32, i32, i32
  }
  func.func @transform_5(%arg0: i32) -> (i32, i32) {
    %c0_i32 = arith.constant 0 : i32
    %c0_i32_0 = arith.constant 0 : i32
    %c0_i32_1 = arith.constant 0 : i32
    return %c0_i32, %c0_i32_0 : i32, i32
  }
}

</mosaic_0001>

<sc_bundles>
// kernel: kernel.5.cloned.1.call-start
scs
__scs_entry_jumppad:
0x0: {  	(pc) =	sbr.rel $0x88, $3  }
0x1: {  	(tag) =	ssettag $0x0;
	lr =	simm.s32 $0x1  }
0x2: {  	[smem:$0x3F9F] =	sst lr;
	_ =	strace $0xD0000000  }
0x3: {  	_ = 	snop  }
0x4: {  	_ = 	snop  }
0x5: {  	_ = 	snop  }
0x6: {  	_ = 	snop  }
0x7: {  	_ = 	snop  }
__scs_overlays_trampoline_lowered:
0x8: {  	[smem:$0x3FAE] =	sst s0  }
0x9: {  	[smem:$0x3FAF] =	sst s1  }
0xa: {  	[smem:$0x3FB0] =	sst s2  }
0xb: {  	[smem:$0x3FB1] =	sst s3  }
0xc: {  	[smem:$0x3FB2] =	sst s4  }
0xd: {  	[smem:$0x3FB3] =	sst s5  }
0xe: {  	[smem:$0x3FB4] =	sst s6  }
0xf: {  	[smem:$0x3FB5] =	sst s7  }
0x10: {  	[smem:$0x3FB6] =	sst s8  }
0x11: {  	[smem:$0x3FB7] =	sst s9;
	s0 =	simm.s32 @!p0 $0x0  }
0x12: {  	s1 =	sld [smem:$0x3F9D];
	s0 =	simm.s32 @p0 $0x1  }
0x13: {  	[smem:$0x3FB8] =	sst s0;
	s0 =	simm.s32 @!p1 $0x0  }
0x14: {  	s2 =	sld [smem:$0x3F9C];
	s0 =	simm.s32 @p1 $0x1  }
0x15: {  	[smem:$0x3FB9] =	sst s0;
	s0 =	simm.s32 @!p2 $0x0  }
0x16: {  	s3 =	sld [smem:$0x3FDB];
	s0 =	simm.s32 @p2 $0x1  }
0x17: {  	s4 =	simm.s32 $0x1BF5;
	[smem:$0x3FBB] =	sst s0  }
0x18: {  	s0 =	sld [smem:$0x3F9E];
	_ =	swait.ge [sflag:s4], $0x0  }
0x19: {  	s7 =	sld [smem:$0x3F9F]  }
0x1a: {  	s8 =	sadd.s32 $0xFFFFE003, lr  }
0x1b: {  	s9 =	sadd.s32 $0xFFFFFEF7, lr;
	s5 =	simm.s32 $0xFFFFFFFF;
	p2 =	slt.u32 s8, $0xFFFFF086  }
0x1c: {  	p1 =	slt.u32 s9, $0xF7A;
	s5 =	simm.s32 @!p2 $0x0  }
0x1d: {  	s5 =	simm.s32 @p1 $0x1;
	p0 =	seq.s32 s7, s2  }
0x1e: {  	s7 =	smul.u32 @!p0 $0xF7A, s2;
	p2 =	seq.s32 @!p0 s5, $0x0  }
0x1f: {  	s9 =	smul.u32 $0xF7A, s1;
	s8 =	simm.s32 @!p0 $0x1BF5;
	p2 =	por !p2, p0  }
0x20: {  	[sflag:s8] =	ssyncset.s32 @!p0 $0xFFFFF086;
	s6 =	sadd.s32 @!p0 s3, s7;
	s7 =	simm.s32 @!p0 $0x108  }
0x21: {  	s3 =	sadd.s32 s3, s9;
	s6 =	sadd.s32 @!p0 $0x88, s6;
	s7 =	simm.s32 @p2 $0x1082  }
0x22: {  	[simem:s7], [sflag:s8] =	dma.local @!p0 [hbm:s6], $0xF7A  }
0x23: {  	s9 =	sor.u32 $0xD0000000, s2;
	s6 =	simm.s32 $0x108;
	_ =	swait.ge @!p0 [sflag:s8], $0x0  }
0x24: {  	s3 =	sadd.s32 $0x88, s3;
	s6 =	simm.s32 @!p1 $0x1082;
	[sflag:s4] =	ssyncset.s32 $0xFFFFF086  }
0x25: {  	[simem:s6], [sflag:s4] =	dma.local [hbm:s3], $0xF7A  }
0x26: {  	[smem:$0x3F9F] =	sst s1;
	(tag) =	ssettag s2;
	_ =	strace s9  }
0x27: {  	s1 =	sld [smem:$0x3FAF]  }
0x28: {  	s2 =	sld [smem:$0x3FB0]  }
0x29: {  	s4 =	sld [smem:$0x3FB2]  }
0x2a: {  	p0 =	seq.s32 s5, $0x0;
	s5 =	sld [smem:$0x3FB3]  }
0x2b: {  	s6 =	sld [smem:$0x3FB4]  }
0x2c: {  	s7 =	sld [smem:$0x3FB5]  }
0x2d: {  	s3 =	simm.s32 $0x108;
	s8 =	sld [smem:$0x3FB6]  }
0x2e: {  	s3 =	simm.s32 @!p0 $0x1082;
	s9 =	sld [smem:$0x3FB7]  }
0x2f: {  	lr =	sadd.s32 s0, s3;
	s0 =	sld [smem:$0x3FAE]  }
0x30: {  	s3 =	sld [smem:$0x3FB1]  }
0x31: {  	[smem:$0x3FBA] =	sst s10  }
0x32: {  	s10 =	sld [smem:$0x3FB8];
	_ =	sdelay $0x3  }
0x33: {  	p0 =	seq.s32 s10, $0x1;
	s10 =	sld [smem:$0x3FBA];
	_ =	sdelay $0x3  }
0x34: {  	[smem:$0x3FBA] =	sst s10  }
0x35: {  	s10 =	sld [smem:$0x3FB9];
	_ =	sdelay $0x3  }
0x36: {  	p1 =	seq.s32 s10, $0x1;
	s10 =	sld [smem:$0x3FBA];
	_ =	sdelay $0x3  }
0x37: {  	[smem:$0x3FBA] =	sst s10  }
0x38: {  	s10 =	sld [smem:$0x3FBB]  }
0x39: {  	_ = 	snop;
	(pc) =	sbr.ind lr, $3  }
0x3a: {  	_ = 	snop  }
0x3b: {  	_ = 	snop  }
0x3c: {  	p2 =	seq.s32 s10, $0x1;
	s10 =	sld [smem:$0x3FBA]  }
0x3d: {  	_ =	shalt  }
0x3e: {  	_ =	shalt  }
0x3f: {  	_ =	shalt  }
0x40: {  	_ =	shalt  }
0x41: {  	_ =	shalt  }
0x42: {  	_ =	shalt  }
0x43: {  	_ =	shalt  }
0x44: {  	_ =	shalt  }
0x45: {  	_ =	shalt  }
0x46: {  	_ =	shalt  }
0x47: {  	_ =	shalt  }
0x48: {  	_ =	shalt  }
0x49: {  	_ =	shalt  }
0x4a: {  	_ =	shalt  }
0x4b: {  	_ =	shalt  }
0x4c: {  	_ =	shalt  }
0x4d: {  	_ =	shalt  }
0x4e: {  	_ =	shalt  }
0x4f: {  	_ =	shalt  }
0x50: {  	_ =	shalt  }
0x51: {  	_ =	shalt  }
0x52: {  	_ =	shalt  }
0x53: {  	_ =	shalt  }
0x54: {  	_ =	shalt  }
0x55: {  	_ =	shalt  }
0x56: {  	_ =	shalt  }
0x57: {  	_ =	shalt  }
0x58: {  	_ =	shalt  }
0x59: {  	_ =	shalt  }
0x5a: {  	_ =	shalt  }
0x5b: {  	_ =	shalt  }
0x5c: {  	_ =	shalt  }
0x5d: {  	_ =	shalt  }
0x5e: {  	_ =	shalt  }
0x5f: {  	_ =	shalt  }
0x60: {  	_ =	shalt  }
0x61: {  	_ =	shalt  }
0x62: {  	_ =	shalt  }
0x63: {  	_ =	shalt  }
0x64: {  	_ =	shalt  }
0x65: {  	_ =	shalt  }
0x66: {  	_ =	shalt  }
0x67: {  	_ =	shalt  }
0x68: {  	_ =	shalt  }
0x69: {  	_ =	shalt  }
0x6a: {  	_ =	shalt  }
0x6b: {  	_ =	shalt  }
0x6c: {  	_ =	shalt  }
0x6d: {  	_ =	shalt  }
0x6e: {  	_ =	shalt  }
0x6f: {  	_ =	shalt  }
0x70: {  	_ =	shalt  }
0x71: {  	_ =	shalt  }
0x72: {  	_ =	shalt  }
0x73: {  	_ =	shalt  }
0x74: {  	_ =	shalt  }
0x75: {  	_ =	shalt  }
0x76: {  	_ =	shalt  }
0x77: {  	_ =	shalt  }
0x78: {  	_ =	shalt  }
0x79: {  	_ =	shalt  }
0x7a: {  	_ =	shalt  }
0x7b: {  	_ =	shalt  }
0x7c: {  	_ =	shalt  }
0x7d: {  	_ =	shalt  }
0x7e: {  	_ =	shalt  }
0x7f: {  	_ =	shalt  }
0x80: {  	_ =	shalt  }
0x81: {  	_ =	shalt  }
0x82: {  	_ =	shalt  }
0x83: {  	_ =	shalt  }
0x84: {  	_ =	shalt  }
0x85: {  	_ =	shalt  }
0x86: {  	_ =	shalt  }
0x87: {  	_ =	shalt  }
.Lfunc_end0:
.L_simem_size_0:
called_computation_lowered:
.L_overlay_start_0:
0x88: {  	s2 =	sld [smem:$0x3FD9]  }
0x89: {  	s3 =	sld [smem:$0x3FFE];
	_ =	sdelay $0x1  }
0x8a: {  	s1 =	srdreg.scid  }
0x8b: {  	s0 =	sand.u32 $0x1, s1  }
0x8c: {  	s16 =	sshll.u32 s0, $0xA;
	s2 =	sadd.s32 s3, s2  }
0x8d: {  	s2 =	sadd.s32 s2, s16  }
0x8e: {  	[smem:$0x3FC6] =	sst s2  }
0x8f: {  	_ = 	snop  }
0x90: {  	(tm) =	ssettm $0x1  }
0x91: {  	s17 =	sld [smem:$0x3FFB];
	_ =	sdelay $0x3  }
0x92: {  	_ =	strace s17  }
0x93: {  	s2 =	sld [smem:$0x3FFC];
	_ =	sdelay $0x3  }
0x94: {  	_ =	strace s2  }
0x95: {  	s2 =	sld [smem:$0x3FFD];
	_ =	sdelay $0x3  }
0x96: {  	_ =	strace s2  }
0x97: {  	_ =	strace $0x8FFFFFFF  }
0x98: {  	s18 =	sld [smem:$0x3FDB];
	_ =	sdelay $0x1  }
0x99: {  	s19 =	simm.s32 $_scs_section_size  }
0x9a: {  	s4 =	simm.s32 $_size__tile_overlayer_lowered;
	s5 =	simm.s32 $_tile_overlayer_lowered  }
0x9b: {  	s22 =	simm.s32 $0x1BFF;
	s21 =	sshll.u32 s5, $0x1;
	s2 =	sadd.s32 s19, s18  }
0x9c: {  	s6 =	simm.s32 $0x0;
	s20 =	sshll.u32 s4, $0x1;
	s4 =	sadd.s32 s21, s2  }
0x9d: {  	[timem:s6], [sflag:s22] =	dma.local [hbm:s4], s20  }
0x9e: {  	_ =	swait.ge [sflag:s22], s20  }
0x9f: {  	s3 =	ssub.s32 $0x0, s20;
	[sflag:s22] =	ssyncset.done $0x0  }
0xa0: {  	[sflag:s22] =	ssyncadd.s32 s3;
	_ =	sdelay $0x1  }
0xa1: {  	s23 =	simm.s32 $0x1B8B  }
0xa2: {  	_ =	swait.ge [sflag:s23], $0x1  }
0xa3: {  	[sflag:s23] =	ssyncset.done $0x0  }
0xa4: {  	s25 =	simm.s32 $0x1B8E;
	s24 =	sld [smem:$0x3FFE];
	[sflag:s23] =	ssyncadd.s32 $0xFFFFFFFF  }
0xa5: {  	s26 =	simm.s32 $execute0_lowered;
	[smem:$0x3FD2] =	sst s25  }
0xa6: {  	s4 =	sshll.u32 s26, $0x1;
	_ =	strace $0x80000046;
	[dreg:$0x1] =	wrdreg $0xFFFFFFFF  }
0xa7: {  	s28 =	simm.s32 $_size_execute0_lowered;
	s2 =	sadd.s32 s2, s4;
	[dreg:$0x0] =	wrdreg $0x0  }
0xa8: {  	s4 =	sshll.u32 s28, $0x1;
	[dreg:$0x2] =	wrdreg s2  }
0xa9: {  	[dreg:$0x3] =	wrdreg s4  }
0xaa: {  	[dreg:$0x4] =	wrdreg $0xC0  }
0xab: {  	_ =	task [dreg:s6], $0x5FFFF  }
0xac: {  	[dreg:$0x1] =	wrdreg $0xFFFFFFFF  }
0xad: {  	[dreg:$0x0] =	wrdreg $0x60  }
0xae: {  	[dreg:$0x2] =	wrdreg s24  }
0xaf: {  	[dreg:$0x3] =	wrdreg $0x9  }
0xb0: {  	_ =	task.clear_ibuf [dreg:s6], $0x4FFFF;
	_ =	strace $0x90000046  }
0xb1: {  	s29 =	simm.s32 $0x9;
	_ =	strace $0x80000048  }
0xb2: {  	_ =	swait.ge [sflag:s29], $0x1  }
0xb3: {  	[sflag:s29] =	ssyncadd.s32 $0xFFFFFFFF  }
0xb4: {  	_ =	strace $0x90000048  }
0xb5: {  	_ =	sfence  }
0xb6: {  	s30 =	sld [smem:$0x0];
	_ =	sdelay $0x2  }
0xb7: {  	s31 =	sshll.u32 s1, $0xD;
	s1 =	sshrl.u32 s1, $0x2  }
0xb8: {  	s3 =	sand.u32 $0x4000, s31;
	s1 =	sadd.s32 s1, s30  }
0xb9: {  	s0 =	sor.u32 s3, s0;
	s1 =	sshll.u32 s1, $0x11  }
0xba: {  	s0 =	sor.u32 s1, s0  }
0xbb: {  	s0 =	sadd.s32 $0x8F2B, s0  }
0xbc: {  	[sflag:s0] =	ssyncadd.remote.s32 $0x1  }
0xbd: {  	_ =	sfence.sel $0xFFFF  }
0xbe: {  	[dreg:$0x0] =	wrdreg $0xFFFFFFFF;
	(pc) =	sbr.abs _section_cstart, $3  }
0xbf: {  	[dreg:$0x1] =	wrdreg $0xFFFFFFFF  }
0xc0: {  	_ =	task.clear_ibuf [dreg:s6], $0x2FFFF;
	_ =	strace $0x9FFFFFFF  }
0xc1: {  	(tm) =	ssettm $0x7FFFFFFF  }
tec
execute0_lowered:
.L_overlay_start_1:
0x0: {  	(tag) =	ssettag $0x1  }
0x1: {  	s3 =	rddreg [dreg:$0x0]  }
0x2: {  	s0 =	rddreg [dreg:$0x1];
	s2 =	simm.s32 $0x0;
	s1 =	stileid.u32  }
0x3: {  	s5 =	srdreg.scid;
	[smem:$0x7FF] =	sst s2  }
0x4: {  	s4 =	sshrl.u32 s1, $0x2;
	s5 =	sand.u32 $0x1, s5;
	s7 =	sshll.u32 s1, $0x1  }
0x5: {  	_ =	strace $0x80000047;
	s6 =	sshll.u32 s4, $0xB;
	s8 =	ssub.s32 $0x2, s5  }
0x6: {  	s7 =	sand.u32 $0x6, s7;
	s4 =	sshll.u32 s4, $0xF;
	s6 =	sadd.s32 s6, s3  }
.Ltmp0:
0x7: {  	s9 =	sshrl.u32 s8, $0x1;
	s5 =	sor.u32 s5, s7;
	(pc) =	sbr.rel .LBB2_1-.Ltmp0, $4  }
0x8: {  	s4 =	sadd.s32 s4, s3;
	s7 =	simm.s32 $0x4000;
	s30 =	ssub.s32 s8, s9  }
0x9: {  	s31 =	sshll.u32 s5, $0xC;
	s5 =	sshll.u32 s5, $0x6;
	s3 =	sadd.s32 $0x1000, s6  }
0xa: {  	v1 =	vlaneseq.u32;
	v2 =	vimm.f32 $0.0e+00;
	s6 =	simm.s32 $0x1;
	s8 =	simm.s32 $0x4480;
	s4 =	sadd.s32 s31, s4  }
0xb: {  	v4 =	vimm.s32 $0x0;
	v3 =	vmul.u32 $0x80, v1;
	s9 =	simm.s32 $0x0;
	v0 =	vmov s5;
	s5 =	smax.u32 s30, $0x1;
	s4 =	sadd.s32 $0x3000, s4  }
.LBB2_19:
0xc: {  	s9 =	sadd.s32 $0x1, s9  }
0xd: {  	p0 =	sne.s32 s9, s5  }
.Ltmp1:
0xe: {  	_ = 	snop;
	(pc) =	sbr.rel @!p0 .LBB2_20-.Ltmp1, $4  }
0xf: {  	[hbm4b:s4+s2] =	stream.linear.scatter [tilespmem:s8], [sflag:$0x1], $0x8000, $0x38;
	[tilespmem:$0xC480] =	vst v63  }
0x10: {  	_ =	swait.ge [sflag:s6], $0x8000  }
0x11: {  	[sflag:s6] =	ssyncset.done $0x0  }
0x12: {  	[sflag:s6] =	ssyncadd.s32 $0xFFFF8000  }
.LBB2_1:
0x13: {  	p1 =	por $0x0, $0x0  }
.Ltmp2:
0x14: {  	_ = 	snop;
	(pc) =	sbr.rel @p1 .LBB2_2-.Ltmp2, $4  }
0x15: {  	[tilespmem:s2], [sflag:$0x1] =	stream.linear.gather [hbm4b:s3+s2], $0x4000, $0x38;
	[tilespmem:$0xC480] =	vst v63  }
0x16: {  	_ =	swait.ge [sflag:s6], $0x4000  }
0x17: {  	s13 =	sand.u32 $0x7000, s2;
	s14 =	sand.u32 $0x380, s2;
	[sflag:s6] =	ssyncset.done $0x0  }
0x18: {  	s12 =	simm.s32 $0x200;
	p0 =	por $0x0, $0x0;
	[sflag:s6] =	ssyncadd.s32 $0xFFFFC000  }
0x19: {  	s10 =	sor.u32 s14, s13  }
0x1a: {  	[tilespmem:s10+$0x50F0] =	vst v2  }
0x1b: {  	[tilespmem:s10+$0x4480] =	vst v2  }
0x1c: {  	[tilespmem:s10+$0x4490] =	vst v2  }
0x1d: {  	[tilespmem:s10+$0x44A0] =	vst v2  }
0x1e: {  	[tilespmem:s10+$0x44B0] =	vst v2  }
0x1f: {  	[tilespmem:s10+$0x44C0] =	vst v2  }
0x20: {  	[tilespmem:s10+$0x44D0] =	vst v2  }
0x21: {  	[tilespmem:s10+$0x44E0] =	vst v2  }
0x22: {  	[tilespmem:s10+$0x44F0] =	vst v2  }
0x23: {  	[tilespmem:s10+$0x4880] =	vst v2  }
0x24: {  	[tilespmem:s10+$0x4890] =	vst v2  }
0x25: {  	[tilespmem:s10+$0x48A0] =	vst v2  }
0x26: {  	[tilespmem:s10+$0x48B0] =	vst v2  }
0x27: {  	[tilespmem:s10+$0x48C0] =	vst v2  }
0x28: {  	[tilespmem:s10+$0x48D0] =	vst v2  }
0x29: {  	[tilespmem:s10+$0x48E0] =	vst v2  }
0x2a: {  	[tilespmem:s10+$0x48F0] =	vst v2  }
0x2b: {  	[tilespmem:s10+$0x4C80] =	vst v2  }
0x2c: {  	[tilespmem:s10+$0x4C90] =	vst v2  }
0x2d: {  	[tilespmem:s10+$0x4CA0] =	vst v2  }
0x2e: {  	[tilespmem:s10+$0x4CB0] =	vst v2  }
0x2f: {  	[tilespmem:s10+$0x4CC0] =	vst v2  }
0x30: {  	[tilespmem:s10+$0x4CD0] =	vst v2  }
0x31: {  	[tilespmem:s10+$0x4CE0] =	vst v2  }
0x32: {  	[tilespmem:s10+$0x4CF0] =	vst v2  }
0x33: {  	p1 =	por $0x0, $0x0;
	[tilespmem:s10+$0x5080] =	vst v2  }
.Ltmp3:
0x34: {  	[tilespmem:s10+$0x5090] =	vst v2;
	(pc) =	sbr.rel @p1 .LBB2_5-.Ltmp3, $4  }
0x35: {  	[tilespmem:s10+$0x50A0] =	vst v2  }
0x36: {  	[tilespmem:s10+$0x50B0] =	vst v2  }
0x37: {  	s11 =	simm.s32 $0x80;
	s13 =	sand.u32 $0x7000, s12;
	[tilespmem:s10+$0x50C0] =	vst v2  }
0x38: {  	s12 =	simm.s32 $0x400;
	p0 =	por $0x1, $0x1;
	s14 =	sand.u32 $0x380, s11;
	[tilespmem:s10+$0x50D0] =	vst v2  }
.LBB2_4:
0x39: {  	p1 =	seq.s32 s12, $0x7E00;
	[tilespmem:s10+$0x50E0] =	vst v2;
	s10 =	sor.u32 s14, s13  }
0x3a: {  	[tilespmem:s10+$0x50F0] =	vst v2  }
0x3b: {  	[tilespmem:s10+$0x4480] =	vst v2  }
0x3c: {  	[tilespmem:s10+$0x4490] =	vst v2  }
0x3d: {  	[tilespmem:s10+$0x44A0] =	vst v2  }
0x3e: {  	[tilespmem:s10+$0x44B0] =	vst v2  }
0x3f: {  	[tilespmem:s10+$0x44C0] =	vst v2  }
0x40: {  	[tilespmem:s10+$0x44D0] =	vst v2  }
0x41: {  	[tilespmem:s10+$0x44E0] =	vst v2  }
0x42: {  	[tilespmem:s10+$0x44F0] =	vst v2  }
0x43: {  	[tilespmem:s10+$0x4880] =	vst v2  }
0x44: {  	[tilespmem:s10+$0x4890] =	vst v2  }
0x45: {  	[tilespmem:s10+$0x48A0] =	vst v2  }
0x46: {  	[tilespmem:s10+$0x48B0] =	vst v2  }
0x47: {  	[tilespmem:s10+$0x48C0] =	vst v2  }
0x48: {  	[tilespmem:s10+$0x48D0] =	vst v2  }
0x49: {  	[tilespmem:s10+$0x48E0] =	vst v2  }
0x4a: {  	[tilespmem:s10+$0x48F0] =	vst v2  }
0x4b: {  	[tilespmem:s10+$0x4C80] =	vst v2  }
0x4c: {  	[tilespmem:s10+$0x4C90] =	vst v2  }
0x4d: {  	[tilespmem:s10+$0x4CA0] =	vst v2  }
0x4e: {  	[tilespmem:s10+$0x4CB0] =	vst v2  }
0x4f: {  	[tilespmem:s10+$0x4CC0] =	vst v2  }
0x50: {  	[tilespmem:s10+$0x4CD0] =	vst v2  }
0x51: {  	[tilespmem:s10+$0x4CE0] =	vst v2  }
0x52: {  	[tilespmem:s10+$0x4CF0] =	vst v2  }
0x53: {  	[tilespmem:s10+$0x5080] =	vst v2  }
.Ltmp4:
0x54: {  	[tilespmem:s10+$0x5090] =	vst v2;
	(pc) =	sbr.rel @!p1 .LBB2_4-.Ltmp4, $4  }
0x55: {  	[tilespmem:s10+$0x50A0] =	vst v2  }
0x56: {  	[tilespmem:s10+$0x50B0] =	vst v2  }
0x57: {  	s11 =	sadd.s32 $0x80, s11;
	[tilespmem:s10+$0x50C0] =	vst v2  }
0x58: {  	s13 =	sand.u32 $0x7000, s12;
	s12 =	sadd.s32 $0x200, s12;
	s14 =	sand.u32 $0x380, s11;
	[tilespmem:s10+$0x50D0] =	vst v2  }
.LBB2_5:
0x59: {  	s11 =	sor.u32 s14, s13;
	[tilespmem:s10+$0x50E0] =	vst @p0 v2  }
0x5a: {  	[tilespmem:s11+$0x50F0] =	vst v2  }
0x5b: {  	[tilespmem:s11+$0x4480] =	vst v2  }
0x5c: {  	[tilespmem:s11+$0x4490] =	vst v2  }
0x5d: {  	[tilespmem:s11+$0x44A0] =	vst v2  }
0x5e: {  	[tilespmem:s11+$0x44B0] =	vst v2  }
0x5f: {  	[tilespmem:s11+$0x44C0] =	vst v2  }
0x60: {  	[tilespmem:s11+$0x44D0] =	vst v2  }
0x61: {  	[tilespmem:s11+$0x44E0] =	vst v2  }
0x62: {  	[tilespmem:s11+$0x44F0] =	vst v2  }
0x63: {  	[tilespmem:s11+$0x4880] =	vst v2  }
0x64: {  	[tilespmem:s11+$0x4890] =	vst v2  }
0x65: {  	[tilespmem:s11+$0x48A0] =	vst v2  }
0x66: {  	[tilespmem:s11+$0x48B0] =	vst v2  }
0x67: {  	[tilespmem:s11+$0x48C0] =	vst v2  }
0x68: {  	[tilespmem:s11+$0x48D0] =	vst v2  }
0x69: {  	[tilespmem:s11+$0x48E0] =	vst v2  }
0x6a: {  	[tilespmem:s11+$0x48F0] =	vst v2  }
0x6b: {  	[tilespmem:s11+$0x4C80] =	vst v2  }
0x6c: {  	[tilespmem:s11+$0x4C90] =	vst v2  }
0x6d: {  	[tilespmem:s11+$0x4CA0] =	vst v2  }
0x6e: {  	[tilespmem:s11+$0x4CB0] =	vst v2  }
0x6f: {  	[tilespmem:s11+$0x4CC0] =	vst v2  }
0x70: {  	[tilespmem:s11+$0x4CD0] =	vst v2  }
0x71: {  	s30 =	simm.s32 $0x0;
	[tilespmem:s11+$0x4CE0] =	vst v2  }
0x72: {  	[tilespmem:s11+$0x4CF0] =	vst v2;
	v5 =	vmov s30  }
0x73: {  	[tilespmem:s11+$0x5080] =	vst v2;
	v5 =	vshll.u32 v5, $0x7  }
0x74: {  	[tilespmem:s11+$0x5090] =	vst v2;
	v5 =	vor.u32 v3, v5  }
0x75: {  	[tilespmem:s11+$0x50A0] =	vst v2;
	v6 =	vor.u32 $0x3, v5  }
0x76: {  	[tilespmem:s11+$0x50B0] =	vst v2  }
0x77: {  	[tilespmem:s11+$0x50C0] =	vst v2  }
0x78: {  	[tilespmem:s11+$0x50D0] =	vst v2  }
0x79: {  	[tilespmem:s11+$0x50E0] =	vst v2  }
0x7a: {  	v6 =	vld.idx.msk [tilespmem:v6+s2+$0x0], $0xffff;
	_ =	sdelay $0x3  }
0x7b: {  	v7 =	vor.u32 $0x4, v5;
	v8 =	vld.idx.msk [tilespmem:v5+s2+$0x0], $0xffff  }
0x7c: {  	v9 =	vmul.f32 $5.000000000e-01, v6;
	_ =	sdelay $0x1  }
0x7d: {  	v9 =	vtrunc.f32 v9  }
0x7e: {  	v9 =	vcvt.f32.s32 v9  }
0x7f: {  	v7 =	vld.idx.msk [tilespmem:v7+s2+$0x0], $0xffff;
	v8 =	vtrunc.f32 v8  }
0x80: {  	v8 =	vcvt.f32.s32 v8;
	vm0 =	vgt.s32 v9, $0x3  }
0x81: {  	v9 =	vnsel vm0, $0x3, v9  }
0x82: {  	v10 =	vsub.s32 v8, v9;
	v8 =	vadd.s32 v9, v8  }
0x83: {  	vm1 =	vgt.f32 v6, $0.0e+00;
	v8 =	vadd.s32 $0x1, v8  }
0x84: {  	vm3 =	vgt.f32 v7, $0.0e+00;
	vm8 =	vgt.s32 v10, $0x0;
	vm2 =	vlt.s32 v8, $0x200  }
0x85: {  	vm9 =	vmand vm1, vm3;
	v6 =	vnsel vm8, $0x0, v10;
	v8 =	vnsel vm2, $0x200, v8  }
0x86: {  	v8 =	vsel vm9, v8, v6  }
0x87: {  	v8 =	vsub.s32 v8, v0  }
0x88: {  	v6 =	vsub.s32 v6, v0;
	vm10 =	vgt.s32 v8, $0x0  }
0x89: {  	vm11 =	vgt.s32 v6, $0x0;
	v8 =	vnsel vm10, $0x0, v8  }
0x8a: {  	v6 =	vnsel vm11, $0x0, v6;
	v8 =	vmin.u32 v8, $0x40  }
0x8b: {  	vm12 =	vlt.u32 v6, v8  }
0x8c: {  	v9 =	vsel vm12, $0x1, v4  }
0x8d: {  	(xrf0) =	vadd.scan.msk.s32 $0xffff, v9;
	v9 =	vor.u32 $0x1, v5;
	_ =	sdelay $0x2  }
0x8e: {  	v10 =	vmov s30  }
0x8f: {  	v10 =	vadd.s32 $0xFFFFFFFF, v10  }
0x90: {  	v10 =	vbroadcast v10, $0x0;
	v9 =	vld.idx.msk [tilespmem:v9+s2+$0x0], $0xffff  }
0x91: {  	v7 =	vmul.f32 $5.000000000e-01, v7;
	v11, _, _ =	vpop (xrf0)  }
0x92: {  	v10 =	vadd.s32 v11, v10  }
0x93: {  	v7 =	vtrunc.f32 v7;
	(v2sf) =	vpush v10, $0xF  }
0x94: {  	s31 =	simm.s32 $0x10;
	v7 =	vcvt.f32.s32 v7;
	v5 =	vor.u32 $0x2, v5  }
0x95: {  	v13 =	vmov s31;
	v10 =	vshll.u32 v10, $0x3;
	v9 =	vtrunc.f32 v9  }
0x96: {  	vm13 =	vgt.s32 v7, $0x3;
	v11 =	vor.u32 $0x1, v10;
	v9 =	vcvt.f32.s32 v9  }
0x97: {  	v7 =	vnsel vm13, $0x3, v7;
	v14 =	vor.u32 $0x2, v10;
	v63 =	vor.u32 $0x3, v10  }
0x98: {  	v12 =	vsub.s32 v9, v7;
	v7 =	vadd.s32 v7, v9;
	v9 =	vshll.u32 v13, $0x7  }
0x99: {  	v6 =	vmin.u32 v6, $0x40;
	v5 =	vld.idx.msk [tilespmem:v5+s2+$0x0], $0xffff;
	v15 =	vor.u32 $0x4, v10;
	v9 =	vor.u32 v3, v9  }
0x9a: {  	[tilespmem:v10+s7+$0x0] =	vst.idx.msk vm12, v6;
	vm14 =	vgt.s32 v12, $0x0;
	v7 =	vadd.s32 $0x1, v7;
	v16 =	vor.u32 $0x3, v9  }
0x9b: {  	[tilespmem:v11+s7+$0x0] =	vst.idx.msk vm12, v8;
	v6 =	vnsel vm14, $0x0, v12;
	vm15 =	vlt.s32 v7, $0x200  }
0x9c: {  	v7 =	vnsel vm15, $0x200, v7;
	[tilespmem:v14+s7+$0x0] =	vst.idx.msk vm12, v6  }
0x9d: {  	[tilespmem:v63+s7+$0x0] =	vst.idx.msk vm12, v7  }
0x9e: {  	[tilespmem:v15+s7+$0x0] =	vst.idx.msk vm12, v5  }
0x9f: {  	v7 =	vld.idx.msk [tilespmem:v16+s2+$0x0], $0xffff;
	_ =	sdelay $0x2  }
0xa0: {  	s10 =	simm.s32 $0x20;
	v8 =	vor.u32 $0x4, v9;
	v6 =	vor.u32 $0x1, v9;
	v5 =	vor.u32 $0x2, v9;
	v9 =	vld.idx.msk [tilespmem:v9+s2+$0x0], $0xffff;
	s11 =	spop (v2sf)  }
.LBB2_6:
0xa1: {  	p0 =	seq.s32 s10, $0x70  }
0xa2: {  	v10 =	vmul.f32 $5.000000000e-01, v7;
	s12 =	sadd.s32 $0x1, s11;
	s11 =	smov.u32 s10;
	s10 =	sadd.s32 $0x10, s10  }
0xa3: {  	v11 =	vmov s12  }
0xa4: {  	v10 =	vtrunc.f32 v10;
	v11 =	vadd.s32 $0xFFFFFFFF, v11  }
0xa5: {  	v8 =	vld.idx.msk [tilespmem:v8+s2+$0x0], $0xffff;
	v10 =	vcvt.f32.s32 v10  }
0xa6: {  	v9 =	vtrunc.f32 v9  }
0xa7: {  	v9 =	vcvt.f32.s32 v9;
	vm0 =	vgt.s32 v10, $0x3  }
0xa8: {  	v10 =	vnsel vm0, $0x3, v10  }
0xa9: {  	v12 =	vsub.s32 v9, v10;
	v9 =	vadd.s32 v10, v9  }
0xaa: {  	vm1 =	vgt.f32 v7, $0.0e+00;
	vm0 =	vgt.s32 v12, $0x0;
	v9 =	vadd.s32 $0x1, v9  }
0xab: {  	vm2 =	vgt.f32 v8, $0.0e+00;
	v6 =	vld.idx.msk [tilespmem:v6+s2+$0x0], $0xffff;
	v7 =	vnsel vm0, $0x0, v12;
	vm0 =	vlt.s32 v9, $0x200  }
0xac: {  	v9 =	vnsel vm0, $0x200, v9;
	vm0 =	vmand vm1, vm2;
	v10 =	vsub.s32 v7, v0  }
0xad: {  	v8 =	vmul.f32 $5.000000000e-01, v8;
	v7 =	vsel vm0, v9, v7;
	vm0 =	vgt.s32 v10, $0x0  }
0xae: {  	v9 =	vnsel vm0, $0x0, v10;
	v7 =	vsub.s32 v7, v0  }
0xaf: {  	v8 =	vtrunc.f32 v8;
	vm0 =	vgt.s32 v7, $0x0  }
0xb0: {  	v8 =	vcvt.f32.s32 v8;
	v7 =	vnsel vm0, $0x0, v7  }
0xb1: {  	v6 =	vtrunc.f32 v6;
	v7 =	vmin.u32 v7, $0x40  }
0xb2: {  	vm1 =	vgt.s32 v8, $0x3;
	v6 =	vcvt.f32.s32 v6;
	vm0 =	vlt.u32 v9, v7  }
0xb3: {  	v8 =	vnsel vm1, $0x3, v8;
	v10 =	vsel vm0, $0x1, v4  }
0xb4: {  	v12 =	vsub.s32 v6, v8;
	v6 =	vadd.s32 v8, v6;
	(xrf0) =	vadd.scan.msk.s32 $0xffff, v10  }
0xb5: {  	vm1 =	vgt.s32 v12, $0x0;
	v6 =	vadd.s32 $0x1, v6  }
0xb6: {  	v10 =	vnsel vm1, $0x0, v12;
	vm1 =	vlt.s32 v6, $0x200  }
0xb7: {  	v12 =	vnsel vm1, $0x200, v6;
	_ =	sdelay $0x1  }
0xb8: {  	v6 =	vbroadcast v11, $0x0  }
0xb9: {  	v8, _, _ =	vpop (xrf0)  }
0xba: {  	v6 =	vadd.s32 v8, v6  }
0xbb: {  	v11 =	vshll.u32 v6, $0x3;
	(v2sf) =	vpush v6, $0xF  }
0xbc: {  	v13 =	vor.u32 $0x1, v11  }
0xbd: {  	v6 =	vmov s11;
	v14 =	vor.u32 $0x2, v11  }
0xbe: {  	v6 =	vshll.u32 v6, $0x7;
	v16 =	vor.u32 $0x3, v11;
	v15 =	vld.idx.msk [tilespmem:v5+s2+$0x0], $0xffff  }
0xbf: {  	v17 =	vor.u32 v3, v6;
	v5 =	vmin.u32 v9, $0x40;
	v9 =	vor.u32 $0x4, v11  }
0xc0: {  	v6 =	vor.u32 $0x1, v17;
	v18 =	vor.u32 $0x3, v17;
	v8 =	vor.u32 $0x4, v17;
	[tilespmem:v11+s7+$0x0] =	vst.idx.msk vm0, v5  }
0xc1: {  	v5 =	vor.u32 $0x2, v17;
	[tilespmem:v13+s7+$0x0] =	vst.idx.msk vm0, v7  }
0xc2: {  	[tilespmem:v14+s7+$0x0] =	vst.idx.msk vm0, v10  }
0xc3: {  	[tilespmem:v16+s7+$0x0] =	vst.idx.msk vm0, v12  }
0xc4: {  	[tilespmem:v9+s7+$0x0] =	vst.idx.msk vm0, v15  }
0xc5: {  	v7 =	vld.idx.msk [tilespmem:v18+s2+$0x0], $0xffff  }
.Ltmp5:
0xc6: {  	(pc) =	sbr.rel @!p0 .LBB2_6-.Ltmp5, $3  }
0xc7: {  	_ =	sdelay $0x1  }
0xc8: {  	v9 =	vld.idx.msk [tilespmem:v17+s2+$0x0], $0xffff  }
0xc9: {  	s11 =	spop (v2sf)  }
0xca: {  	v10 =	vmul.f32 $5.000000000e-01, v7;
	_ =	sdelay $0x1  }
0xcb: {  	v10 =	vtrunc.f32 v10  }
0xcc: {  	v10 =	vcvt.f32.s32 v10  }
0xcd: {  	v8 =	vld.idx.msk [tilespmem:v8+s2+$0x0], $0xffff;
	v9 =	vtrunc.f32 v9  }
0xce: {  	v9 =	vcvt.f32.s32 v9;
	vm0 =	vgt.s32 v10, $0x3  }
0xcf: {  	v10 =	vnsel vm0, $0x3, v10  }
0xd0: {  	v11 =	vsub.s32 v9, v10;
	v9 =	vadd.s32 v10, v9  }
0xd1: {  	vm1 =	vgt.f32 v7, $0.0e+00;
	v9 =	vadd.s32 $0x1, v9  }
0xd2: {  	vm3 =	vgt.f32 v8, $0.0e+00;
	vm8 =	vgt.s32 v11, $0x0;
	vm2 =	vlt.s32 v9, $0x200  }
0xd3: {  	vm9 =	vmand vm1, vm3;
	v7 =	vnsel vm8, $0x0, v11;
	v9 =	vnsel vm2, $0x200, v9  }
0xd4: {  	v9 =	vsel vm9, v9, v7  }
0xd5: {  	v9 =	vsub.s32 v9, v0  }
0xd6: {  	v7 =	vsub.s32 v7, v0;
	vm10 =	vgt.s32 v9, $0x0  }
0xd7: {  	vm11 =	vgt.s32 v7, $0x0;
	v9 =	vnsel vm10, $0x0, v9  }
0xd8: {  	v7 =	vnsel vm11, $0x0, v7;
	v9 =	vmin.u32 v9, $0x40  }
0xd9: {  	vm12 =	vlt.u32 v7, v9  }
0xda: {  	v59 =	vsel vm12, $0x1, v4  }
0xdb: {  	(xrf0) =	vadd.scan.msk.s32 $0xffff, v59;
	_ =	sdelay $0x1  }
0xdc: {  	s10 =	sadd.s32 $0x1, s11  }
0xdd: {  	v60 =	vmov s10  }
0xde: {  	v10 =	vadd.s32 $0xFFFFFFFF, v60  }
0xdf: {  	v10 =	vbroadcast v10, $0x0  }
0xe0: {  	v61, _, _ =	vpop (xrf0)  }
0xe1: {  	v10 =	vadd.s32 v61, v10  }
0xe2: {  	(v2sf) =	vpush v10, $0xF;
	_ =	sdelay $0x6  }
0xe3: {  	v6 =	vld.idx.msk [tilespmem:v6+s2+$0x0], $0xffff  }
0xe4: {  	v8 =	vmul.f32 $5.000000000e-01, v8;
	_ =	sdelay $0x1  }
0xe5: {  	v8 =	vtrunc.f32 v8  }
0xe6: {  	v8 =	vcvt.f32.s32 v8  }
0xe7: {  	v6 =	vtrunc.f32 v6;
	v10 =	vshll.u32 v10, $0x3  }
0xe8: {  	v6 =	vcvt.f32.s32 v6;
	vm13 =	vgt.s32 v8, $0x3;
	v62 =	vor.u32 $0x1, v10  }
0xe9: {  	v8 =	vnsel vm13, $0x3, v8;
	v12 =	vor.u32 $0x2, v10  }
0xea: {  	v13 =	vsub.s32 v6, v8;
	v14 =	vor.u32 $0x3, v10;
	s10 =	spop (v2sf)  }
0xeb: {  	v5 =	vld.idx.msk [tilespmem:v5+s2+$0x0], $0xffff;
	v6 =	vadd.s32 v8, v6;
	v7 =	vmin.u32 v7, $0x40;
	v63 =	vor.u32 $0x4, v10;
	p0 =	slt.u32 s10, $0x7FFFFFFF  }
.Ltmp6:
0xec: {  	vm14 =	vgt.s32 v13, $0x0;
	v6 =	vadd.s32 $0x1, v6;
	[tilespmem:v10+s7+$0x0] =	vst.idx.msk vm12, v7;
	(pc) =	sbr.rel @!p0 .LBB2_19-.Ltmp6, $4  }
.Ltmp7:
0xed: {  	vm15 =	vlt.s32 v6, $0x200;
	v7 =	vnsel vm14, $0x0, v13;
	[tilespmem:v62+s7+$0x0] =	vst.idx.msk vm12, v9;
	(pc) =	sbr.rel @p0 .LBB2_8-.Ltmp7, $4  }
0xee: {  	v6 =	vnsel vm15, $0x200, v6;
	[tilespmem:v12+s7+$0x0] =	vst.idx.msk vm12, v7  }
0xef: {  	[tilespmem:v14+s7+$0x0] =	vst.idx.msk vm12, v6  }
0xf0: {  	s11 =	simm.s32 $0x0;
	[tilespmem:v63+s7+$0x0] =	vst.idx.msk vm12, v5  }
0xf1: {  	_ = 	snop  }
.LBB2_10:
0xf2: {  	_ = 	snop  }
.LBB2_17:
0xf3: {  	_ =	sdelay $0x2  }
0xf4: {  	v19 =	vshll.u32 v16, $0x9;
	v13 =	vadd.s32 @p0 v8, v13  }
0xf5: {  	v61 =	vshll.u32 v16, $0x7;
	v19 =	vand.u32 $0xFFFFF000, v19;
	v11 =	vor.u32 @p0 v11, v13  }
0xf6: {  	[tilespmem:v15+s8+$0x0] =	vst.idx.msk @p1 vm4, v5;
	v62 =	vand.u32 $0x380, v61;
	v9 =	vadd.s32 v9, v19;
	v11 =	vpsel p0, v11, v0  }
0xf7: {  	[tilespmem:v12+s8+$0x0] =	vst.idx.msk @p0 vm0, v5;
	v7 =	vadd.s32 v7, v19;
	v9 =	vor.u32 v62, v9  }
0xf8: {  	[tilespmem:v18+s8+$0x0] =	vst.idx.msk @p0 vm1, v5;
	v6 =	vadd.s32 v6, v19;
	v7 =	vor.u32 v62, v7  }
0xf9: {  	v10 =	vadd.s32 v10, v19;
	[tilespmem:v14+s8+$0x0] =	vst.idx.msk @p0 vm2, v5;
	v6 =	vor.u32 v62, v6  }
0xfa: {  	v63 =	vadd.s32 v8, v19;
	v10 =	vor.u32 v62, v10;
	[tilespmem:v17+s8+$0x0] =	vst.idx.msk @p0 vm3, v5  }
0xfb: {  	v8 =	vor.u32 v62, v63;
	[tilespmem:v11+s8+$0x0] =	vst.idx.msk @p0 vm4, v5  }
0xfc: {  	[tilespmem:v9+s8+$0x0] =	vst.idx.msk vm0, v5  }
0xfd: {  	[tilespmem:v7+s8+$0x0] =	vst.idx.msk vm1, v5  }
0xfe: {  	[tilespmem:v6+s8+$0x0] =	vst.idx.msk vm2, v5  }
0xff: {  	[tilespmem:v10+s8+$0x0] =	vst.idx.msk vm3, v5  }
0x100: {  	[tilespmem:v8+s8+$0x0] =	vst.idx.msk vm4, v5  }
.LBB2_18:
0x101: {  	p0 =	sne.s32 s11, s10  }
.Ltmp8:
0x102: {  	_ = 	snop;
	(pc) =	sbr.rel @!p0 .LBB2_19-.Ltmp8, $3  }
0x103: {  	_ =	sdelay $0x1  }
0x104: {  	s12 =	sadd.s32 $0x1, s11  }
0x105: {  	s11 =	smov.u32 s12  }
.LBB2_8:
0x106: {  	s12 =	sshll.u32 s11, $0x5  }
0x107: {  	s12 =	sshra.s32 s12, $0x2  }
0x108: {  	v5 =	vld [tilespmem:s12+$0x4000];
	_ =	sdelay $0x4  }
0x109: {  	(v2sf) =	vpush v5, $0x0  }
0x10a: {  	(v2sf) =	vpush v5, $0x1;
	_ =	sdelay $0x5  }
0x10b: {  	(v2sf) =	vpush v5, $0x2;
	_ =	sdelay $0x7  }
0x10c: {  	s13 =	spop (v2sf)  }
0x10d: {  	s12 =	spop (v2sf)  }
0x10e: {  	p0 =	sge.s32 s13, s12  }
.Ltmp9:
0x10f: {  	_ = 	snop;
	(pc) =	sbr.rel @p0 .LBB2_18-.Ltmp9, $2  }
0x110: {  	_ =	sdelay $0x2  }
0x111: {  	s14 =	spop (v2sf)  }
0x112: {  	s14 =	sand.u32 $0xFFFFFFF0, s14  }
0x113: {  	p0 =	slt.s32 s14, $0x1F0;
	s15 =	smov.u32 s14;
	s16 =	sadd.s32 $0x10, s14  }
0x114: {  	v6 =	vbroadcast v5, $0x2;
	s17 =	sadd.s32 $0x20, s14;
	s15 =	simm.s32 @!p0 $0x1F0;
	p0 =	slt.s32 s16, $0x1F0  }
0x115: {  	v9 =	vbroadcast v5, $0x3;
	v5 =	vbroadcast v5, $0x4;
	v7 =	vmov s15;
	s16 =	simm.s32 @!p0 $0x1F0;
	p0 =	slt.s32 s17, $0x1F0  }
0x116: {  	v8 =	vor.u32 s15, v1;
	v10 =	vmov s16;
	v11 =	vor.u32 s16, v1;
	s17 =	simm.s32 @!p0 $0x1F0  }
0x117: {  	s15 =	sadd.s32 $0x30, s14;
	vm0 =	vge.s32 v8, v6;
	vm1 =	vlt.s32 v8, v9;
	v12 =	vmov s17  }
0x118: {  	p0 =	slt.s32 s15, $0x1F0;
	v13 =	vor.u32 s17, v1;
	vm0 =	vmand vm0, vm1;
	vm1 =	vge.s32 v11, v6  }
0x119: {  	s14 =	sadd.s32 $0x40, s14;
	vm2 =	vlt.s32 v11, v9;
	s15 =	simm.s32 @!p0 $0x1F0;
	vm3 =	vge.s32 v13, v6;
	vm4 =	vlt.s32 v13, v9  }
0x11a: {  	p0 =	slt.s32 s14, $0x1F0;
	vm1 =	vmand vm1, vm2;
	v14 =	vor.u32 s15, v1;
	v15 =	vmov s15  }
0x11b: {  	s14 =	simm.s32 @!p0 $0x1F0;
	v62 =	vand.u32 $0x7F, v13;
	vm2 =	vmand vm3, vm4;
	vm3 =	vge.s32 v14, v6  }
0x11c: {  	vm4 =	vlt.s32 v14, v9;
	v16 =	vmov s14;
	v17 =	vor.u32 s14, v1  }
0x11d: {  	vm3 =	vmand vm3, vm4;
	vm4 =	vge.s32 v17, v6;
	vm5 =	vlt.s32 v17, v9  }
0x11e: {  	s15 =	sadd.s32 $0x1, s13;
	v6 =	vshll.u32 v7, $0x3;
	v7 =	vand.u32 $0x7F, v8;
	v8 =	vand.u32 $0x7F, v11  }
0x11f: {  	p2 =	sne.s32 s12, s15;
	v9 =	vshll.u32 v10, $0x3;
	v10 =	vshll.u32 v12, $0x3;
	v63 =	vand.u32 $0x7F, v17  }
.Ltmp10:
0x120: {  	vm4 =	vmand vm4, vm5;
	v6 =	vand.u32 $0xFFFFFC00, v6;
	v11 =	vand.u32 $0xFFFFFC00, v9;
	(pc) =	sbr.rel @!p2 .LBB2_10-.Ltmp10, $4  }
0x121: {  	v10 =	vand.u32 $0xFFFFFC00, v10;
	v9 =	vor.u32 v7, v6;
	v7 =	vor.u32 v8, v11  }
0x122: {  	v6 =	vor.u32 v62, v10;
	v10 =	vshll.u32 v15, $0x3;
	v11 =	vshll.u32 v16, $0x3  }
0x123: {  	v8 =	vand.u32 $0x7F, v14;
	v10 =	vand.u32 $0xFFFFFC00, v10;
	v11 =	vand.u32 $0xFFFFFC00, v11  }
0x124: {  	p1 =	por $0x0, $0x0;
	p0 =	por $0x0, $0x0;
	v16 =	vmov s13;
	v10 =	vor.u32 v8, v10;
	v8 =	vor.u32 v63, v11  }
0x125: {  	s14 =	sadd.s32 $0x1, s15  }
0x126: {  	p2 =	sne.s32 s12, s14  }
.Ltmp11:
0x127: {  	v11 =	vshll.u32 v16, $0x9;
	(pc) =	sbr.rel @!p2 .LBB2_12-.Ltmp11, $4  }
0x128: {  	v13 =	vand.u32 $0xFFFFF000, v11;
	v11 =	vshll.u32 v16, $0x7;
	v16 =	vmov s15  }
0x129: {  	v11 =	vand.u32 $0x380, v11;
	v12 =	vadd.s32 v9, v13;
	v14 =	vadd.s32 v7, v13  }
0x12a: {  	v15 =	vadd.s32 v10, v13;
	v18 =	vor.u32 v11, v14;
	v14 =	vadd.s32 v6, v13  }
0x12b: {  	p0 =	por $0x1, $0x1;
	v12 =	vor.u32 v11, v12;
	v17 =	vor.u32 v11, v15;
	v14 =	vor.u32 v11, v14  }
0x12c: {  	_ =	sdelay $0x2  }
0x12d: {  	s13 =	sadd.s32 $0x1, s14  }
0x12e: {  	v15 =	vshll.u32 v16, $0x9;
	p2 =	sne.s32 s12, s13  }
.Ltmp12:
0x12f: {  	v19 =	vadd.s32 v8, v13;
	v16 =	vshll.u32 v16, $0x7;
	[tilespmem:v12+s8+$0x0] =	vst.idx.msk vm0, v5;
	v13 =	vand.u32 $0xFFFFF000, v15;
	(pc) =	sbr.rel @!p2 .LBB2_14-.Ltmp12, $4  }
0x130: {  	v15 =	vor.u32 v11, v19;
	v11 =	vand.u32 $0x380, v16;
	[tilespmem:v18+s8+$0x0] =	vst.idx.msk vm1, v5;
	v16 =	vadd.s32 v9, v13  }
0x131: {  	v19 =	vadd.s32 v7, v13;
	v18 =	vadd.s32 v6, v13;
	v20 =	vadd.s32 v10, v13  }
0x132: {  	[tilespmem:v14+s8+$0x0] =	vst.idx.msk vm2, v5;
	v12 =	vor.u32 v11, v16;
	v19 =	vor.u32 v11, v19  }
0x133: {  	p1 =	por $0x1, $0x1;
	v16 =	vmov s14;
	v14 =	vor.u32 v11, v18;
	v20 =	vor.u32 v11, v20;
	[tilespmem:v17+s8+$0x0] =	vst.idx.msk vm3, v5  }
.LBB2_15:
0x134: {  	s14 =	smov.u32 s13;
	s13 =	sadd.s32 $0x1, s13  }
0x135: {  	v17 =	vshll.u32 v16, $0x9;
	v18 =	vadd.s32 v8, v13;
	[tilespmem:v15+s8+$0x0] =	vst.idx.msk vm4, v5;
	p2 =	sne.s32 s12, s13  }
.Ltmp13:
0x136: {  	v16 =	vshll.u32 v16, $0x7;
	v13 =	vand.u32 $0xFFFFF000, v17;
	v15 =	vor.u32 v11, v18;
	(pc) =	sbr.rel @p2 .LBB2_15-.Ltmp13, $4  }
0x137: {  	v11 =	vand.u32 $0x380, v16;
	v16 =	vadd.s32 v9, v13;
	v17 =	vadd.s32 v7, v13;
	[tilespmem:v12+s8+$0x0] =	vst.idx.msk vm0, v5  }
0x138: {  	v12 =	vor.u32 v11, v16;
	[tilespmem:v19+s8+$0x0] =	vst.idx.msk vm1, v5;
	v19 =	vor.u32 v11, v17  }
0x139: {  	v18 =	vadd.s32 v10, v13;
	v17 =	vadd.s32 v6, v13;
	[tilespmem:v14+s8+$0x0] =	vst.idx.msk vm2, v5  }
0x13a: {  	v16 =	vmov s14;
	v14 =	vor.u32 v11, v17;
	[tilespmem:v20+s8+$0x0] =	vst.idx.msk vm3, v5;
	v20 =	vor.u32 v11, v18  }
.Ltmp14:
0x13b: {  	(pc) =	sbr.rel .LBB2_17-.Ltmp14, $2  }
0x13c: {  	_ =	sdelay $0x2  }
0x13d: {  	v18 =	vmov v19;
	v17 =	vmov v20  }
.LBB2_12:
.Ltmp15:
0x13e: {  	(pc) =	sbr.rel .LBB2_17-.Ltmp15, $2  }
0x13f: {  	_ =	sdelay $0x2  }
0x140: {  	_ = 	snop  }
.LBB2_14:
.Ltmp16:
0x141: {  	(pc) =	sbr.rel .LBB2_17-.Ltmp16, $2  }
0x142: {  	_ =	sdelay $0x2  }
0x143: {  	v18 =	vmov v19;
	v17 =	vmov v20  }
.LBB2_2:
.Ltmp17:
0x144: {  	(pc) =	sbr.rel .LBB2_5-.Ltmp17, $2  }
0x145: {  	_ =	sdelay $0x2  }
0x146: {  	_ = 	snop  }
.LBB2_20:
0x147: {  	_ =	sfence.sel $0x180000  }
0x148: {  	[bflag:$0x0] =	sbarrier.arrive $0xFFFF  }
0x149: {  	p0 =	sne.s32 s1, $0x0;
	_ =	strace $0x90000047  }
0x14a: {  	s0 =	sadd.s32 @!p0 $0x100000, s0;
	[bflag:$0x2] =	sbarrier.arrive $0xFFFF  }
0x14b: {  	[sflag:s0] =	ssyncadd.tile.s32 @!p0 $0x1;
	_ =	shalt  }
.Lfunc_end2:
_tile_overlayer_lowered:
.L_overlay_start_2:
0x14c: {  	(tag) =	ssettag $0x2  }
0x14d: {  	s0 =	rddreg [dreg:$0x0];
	s2 =	stileid.u32  }
0x14e: {  	s1 =	rddreg [dreg:$0x1];
	p0 =	sne.s32 s2, $0x0  }
0x14f: {  	s3 =	rddreg [dreg:$0x2];
	[bflag:$0x3] =	sbarrier.arrive $0xFFFF;
	s2 =	simm.s32 @!p0 $0x1C01  }
0x150: {  	[timem:s3], [sflag:s2] =	dma.local @!p0 [hbm:s0], s1  }
0x151: {  	s0 =	simm.s32 @!p0 $0x1  }
0x152: {  	_ =	swait.ge @!p0 [sflag:s0], s1  }
0x153: {  	s1 =	ssub.s32 @!p0 $0x0, s1;
	[sflag:s0] =	ssyncset.done @!p0 $0x0  }
0x154: {  	[sflag:s0] =	ssyncadd.s32 @!p0 s1  }
0x155: {  	[bflag:$0x3] =	sbarrier.arrive $0xFFFF  }
0x156: {  	_ =	shalt  }

</sc_bundles>
